<compile_context>
chip_gen: v7x
topology: tpu7x:2x2x1
jax: 0.10.2.dev20260603
libtpu: 0.0.44.dev20260713+nightly
codegen_flags: <defaults>
</compile_context>

<pallas_src>
import functools
import math

import jax
import jax.numpy as jnp
from jax import lax
from jax.experimental import pallas as pl
from jax.experimental.pallas import tpu as pltpu
from jax.experimental.pallas import tpu_sc as plsc

_LANES = 16
_IDX_W = 128
_RING = 4
_ORING = 2


def _embed_sc(tokens_2d, table_slots, scale):
    n_rows, idx_w = tokens_2d.shape
    vocab, slot_w = table_slots.shape
    dim = slot_w // 2
    info = plsc.get_sparse_core_info()
    n_workers = info.num_cores * info.num_subcores
    rows_per_w = n_rows // n_workers
    total = n_rows * idx_w

    mesh = plsc.VectorSubcoreMesh(core_axis_name="c", subcore_axis_name="s")

    @functools.partial(
        pl.kernel,
        mesh=mesh,
        out_type=jax.ShapeDtypeStruct((total, dim), jnp.float32),
        scratch_types=[
            pltpu.VMEM((rows_per_w, idx_w), jnp.int32),
            [pltpu.VMEM((idx_w, slot_w), jnp.float32) for _ in range(_RING)],
            [pltpu.VMEM((idx_w, dim), jnp.float32) for _ in range(_ORING)],
            [pltpu.SemaphoreType.DMA for _ in range(_RING)],
            [pltpu.SemaphoreType.DMA for _ in range(_ORING)],
        ],
        compiler_params=pltpu.CompilerParams(use_tc_tiling_on_sc=True),
    )
    def k(tok_hbm, tab_hbm, out_hbm, idx_v, bufs, obufs, gsems, osems):
        w = lax.axis_index("s") * info.num_cores + lax.axis_index("c")
        pltpu.sync_copy(tok_hbm.at[pl.ds(w * rows_per_w, rows_per_w)], idx_v)
        tbase = w * rows_per_w * idx_w

        def wait_gather(s):
            pltpu.make_async_copy(tab_hbm.at[idx_v.at[0]], bufs[s], gsems[s]).wait()

        def wait_out(so):
            pltpu.make_async_copy(
                out_hbm.at[pl.ds(0, idx_w)], obufs[so], osems[so]
            ).wait()

        def compact(s, so):
            def row_body(rr, _):
                for u in range(4):
                    r = 4 * rr + u
                    for k16 in range(dim // _LANES):
                        sl = pl.ds(k16 * _LANES, _LANES)
                        obufs[so][r, sl] = bufs[s][r, sl] * scale
                return 0

            lax.fori_loop(0, idx_w // 4, row_body, 0)

        def fire_out(so, j):
            pltpu.async_copy(
                obufs[so], out_hbm.at[pl.ds(tbase + j * idx_w, idx_w)], osems[so]
            )

        for s in range(_RING):
            pltpu.async_copy(tab_hbm.at[idx_v.at[s]], bufs[s], gsems[s])

        def body(m, _):
            for s in range(_RING):
                j = _RING * m + s
                so = s % _ORING
                wait_gather(s)
                if s < _ORING:
                    @pl.when(m > 0)
                    def _():
                        wait_out(so)

                else:
                    wait_out(so)
                compact(s, so)
                fire_out(so, j)

                @pl.when(j + _RING < rows_per_w)
                def _():
                    pltpu.async_copy(
                        tab_hbm.at[idx_v.at[j + _RING]], bufs[s], gsems[s]
                    )

            return 0

        lax.fori_loop(0, rows_per_w // _RING, body, 0)
        for so in range(_ORING):
            wait_out(so)

    return k(tokens_2d, table_slots)


def kernel(tokens, embedding_weight):
    b0, b1 = tokens.shape
    vocab, dim = embedding_weight.shape
    scale = math.sqrt(dim)
    toks = tokens.reshape(b0 * b1 // _IDX_W, _IDX_W)
    table_slots = jnp.pad(embedding_weight, ((0, 0), (0, dim)))
    out = _embed_sc(toks, table_slots, scale)
    return out.reshape(b0, b1, dim)

# --- scband reference (transcript-rebuilt; emitter-appended) ---
"""Pipeline reference for scband-token-embedding-58823872086535 (READ-ONLY COPY).

The authoritative reference and input builder live on the scoring server;
editing this copy changes nothing except your own understanding.
"""

import math
import jax, jax.numpy as jnp
import numpy as np

VOCAB_SIZE = 1000000
EMBED_DIM = 64

def setup_inputs(seed: int = 0) -> dict:
    key = jax.random.key(seed)
    k_tok, k_emb = jax.random.split(key)
    tokens = jax.random.randint(k_tok, (4096, 200), 0, VOCAB_SIZE, dtype=jnp.int64 if jax.config.jax_enable_x64 else jnp.int32)
    embedding_weight = jax.random.normal(k_emb, (VOCAB_SIZE, EMBED_DIM), dtype=jnp.float32)
    return {"tokens": tokens, "embedding_weight": embedding_weight}

def reference(tokens, embedding_weight):
    # TokenEmbedding.forward: sqrt(d_model) * Embedding(tokens)
    emb = jnp.take(embedding_weight, tokens, axis=0)
    return math.sqrt(EMBED_DIM) * emb

if __name__ == "__main__":
    import jax
    _d = setup_inputs()
    print(jax.jit(kernel)(*tuple(_d.values())))

</pallas_src>

<mosaic_0001>
#map = affine_map<(d0, d1) -> (0, 0)>
module attributes {stable_mosaic.version = 14 : i64} {
  func.func @k(%arg0: i32, %arg1: i32, %arg2: memref<6400x128xi32, #tpu.memory_space<hbm>>, %arg3: memref<1000000x128xf32, #tpu.memory_space<hbm>>, %arg4: memref<819200x64xf32, #tpu.memory_space<hbm>>, %arg5: memref<200x128xi32, #tpu.memory_space<vmem>>, %arg6: memref<128x128xf32, #tpu.memory_space<vmem>>, %arg7: memref<128x128xf32, #tpu.memory_space<vmem>>, %arg8: memref<128x128xf32, #tpu.memory_space<vmem>>, %arg9: memref<128x128xf32, #tpu.memory_space<vmem>>, %arg10: memref<128x64xf32, #tpu.memory_space<vmem>>, %arg11: memref<128x64xf32, #tpu.memory_space<vmem>>, %arg12: memref<!tpu.dma_semaphore, #tpu.memory_space<semaphore_mem>>, %arg13: memref<!tpu.dma_semaphore, #tpu.memory_space<semaphore_mem>>, %arg14: memref<!tpu.dma_semaphore, #tpu.memory_space<semaphore_mem>>, %arg15: memref<!tpu.dma_semaphore, #tpu.memory_space<semaphore_mem>>, %arg16: memref<!tpu.dma_semaphore, #tpu.memory_space<semaphore_mem>>, %arg17: memref<!tpu.dma_semaphore, #tpu.memory_space<semaphore_mem>>) attributes {dimension_semantics = [#tpu.dimension_semantics<core_parallel>, #tpu.dimension_semantics<subcore_parallel>], iteration_bounds = array<i64: 2, 16>, scalar_prefetch = 0 : i64, scratch_operands = 13 : i64, tpu.core_type = #tpu.core_type<sc_vector_subcore>, window_params = [{transform_indices = #map}, {transform_indices = #map}, {transform_indices = #map}]} {
    %mul3A = arith.constant 2 : i32
    %mul3A_0 = arith.muli %arg1, %mul3A : i32
    %add3A = arith.addi %mul3A_0, %arg0 : i32
    %mul3A_1 = arith.constant 200 : i32
    %mul3A_2 = arith.muli %add3A, %mul3A_1 : i32
    "tpu.region"() ({
      %run_scoped3A = tpu.sem_alloc : memref<!tpu.dma_semaphore, #tpu.memory_space<semaphore_mem>>
      %dma_start3A_51 = arith.constant 0 : i32
      %dma_start3A_52 = tpu.memref_slice %arg2[%mul3A_2, %dma_start3A_51] : memref<6400x128xi32, #tpu.memory_space<hbm>> -> memref<200x128xi32, #tpu.memory_space<hbm>>
      %dma_start3A_53 = arith.constant 0 : i32
      %dma_start3A_54 = tpu.memref_slice %arg2[%mul3A_2, %dma_start3A_53] : memref<6400x128xi32, #tpu.memory_space<hbm>> -> memref<200x128xi32, #tpu.memory_space<hbm>>
      tpu.enqueue_dma source(%dma_start3A_54 : memref<200x128xi32, #tpu.memory_space<hbm>>) target(%arg5 : memref<200x128xi32, #tpu.memory_space<vmem>>) target_semaphore(%run_scoped3A : memref<!tpu.dma_semaphore, #tpu.memory_space<semaphore_mem>>)
      %dma_wait3A_55 = arith.constant 0 : i32
      %dma_wait3A_56 = tpu.memref_slice %arg2[%mul3A_2, %dma_wait3A_55] : memref<6400x128xi32, #tpu.memory_space<hbm>> -> memref<200x128xi32, #tpu.memory_space<hbm>>
      %dma_wait3A_57 = arith.constant 0 : i32
      %dma_wait3A_58 = tpu.memref_slice %arg2[%mul3A_2, %dma_wait3A_57] : memref<6400x128xi32, #tpu.memory_space<hbm>> -> memref<200x128xi32, #tpu.memory_space<hbm>>
      tpu.wait_dma2 semaphore(%run_scoped3A : memref<!tpu.dma_semaphore, #tpu.memory_space<semaphore_mem>>) src(%dma_wait3A_58 : memref<200x128xi32, #tpu.memory_space<hbm>>) dst(%arg5 : memref<200x128xi32, #tpu.memory_space<vmem>>)
      tpu.yield
    }) : () -> ()
    %mul3A_3 = arith.constant 200 : i32
    %mul3A_4 = arith.muli %add3A, %mul3A_3 : i32
    %mul3A_5 = arith.constant 128 : i32
    %mul3A_6 = arith.muli %mul3A_4, %mul3A_5 : i32
    %dma_start3A = arith.constant 0 : i32
    %dma_start3A_7 = arith.constant 0 : i32
    %dma_start3A_8 = tpu.memref_slice %arg5[%dma_start3A, %dma_start3A_7] : memref<200x128xi32, #tpu.memory_space<vmem>> -> memref<1x128xi32, #tpu.memory_space<vmem>>
    %dma_start3A_9 = tpu.memref_squeeze %dma_start3A_8 : memref<1x128xi32, #tpu.memory_space<vmem>> -> memref<128xi32, #tpu.memory_space<vmem>>
    %dma_start3A_10 = arith.constant 0 : i32
    %dma_start3A_11 = arith.constant 0 : i32
    %dma_start3A_12 = tpu.memref_slice %arg3[%dma_start3A_10, %dma_start3A_11] : memref<1000000x128xf32, #tpu.memory_space<hbm>> -> memref<1000000x128xf32, #tpu.memory_space<hbm>>
    tpu.enqueue_indirect_dma source(%dma_start3A_12 : memref<1000000x128xf32, #tpu.memory_space<hbm>>) target(%arg6 : memref<128x128xf32, #tpu.memory_space<vmem>>) offsets(%dma_start3A_9 : memref<128xi32, #tpu.memory_space<vmem>>) semaphore(%arg12 : memref<!tpu.dma_semaphore, #tpu.memory_space<semaphore_mem>>)
    %dma_start3A_13 = arith.constant 1 : i32
    %dma_start3A_14 = arith.constant 0 : i32
    %dma_start3A_15 = tpu.memref_slice %arg5[%dma_start3A_13, %dma_start3A_14] : memref<200x128xi32, #tpu.memory_space<vmem>> -> memref<1x128xi32, #tpu.memory_space<vmem>>
    %dma_start3A_16 = tpu.memref_squeeze %dma_start3A_15 : memref<1x128xi32, #tpu.memory_space<vmem>> -> memref<128xi32, #tpu.memory_space<vmem>>
    %dma_start3A_17 = arith.constant 0 : i32
    %dma_start3A_18 = arith.constant 0 : i32
    %dma_start3A_19 = tpu.memref_slice %arg3[%dma_start3A_17, %dma_start3A_18] : memref<1000000x128xf32, #tpu.memory_space<hbm>> -> memref<1000000x128xf32, #tpu.memory_space<hbm>>
    tpu.enqueue_indirect_dma source(%dma_start3A_19 : memref<1000000x128xf32, #tpu.memory_space<hbm>>) target(%arg7 : memref<128x128xf32, #tpu.memory_space<vmem>>) offsets(%dma_start3A_16 : memref<128xi32, #tpu.memory_space<vmem>>) semaphore(%arg13 : memref<!tpu.dma_semaphore, #tpu.memory_space<semaphore_mem>>)
    %dma_start3A_20 = arith.constant 2 : i32
    %dma_start3A_21 = arith.constant 0 : i32
    %dma_start3A_22 = tpu.memref_slice %arg5[%dma_start3A_20, %dma_start3A_21] : memref<200x128xi32, #tpu.memory_space<vmem>> -> memref<1x128xi32, #tpu.memory_space<vmem>>
    %dma_start3A_23 = tpu.memref_squeeze %dma_start3A_22 : memref<1x128xi32, #tpu.memory_space<vmem>> -> memref<128xi32, #tpu.memory_space<vmem>>
    %dma_start3A_24 = arith.constant 0 : i32
    %dma_start3A_25 = arith.constant 0 : i32
    %dma_start3A_26 = tpu.memref_slice %arg3[%dma_start3A_24, %dma_start3A_25] : memref<1000000x128xf32, #tpu.memory_space<hbm>> -> memref<1000000x128xf32, #tpu.memory_space<hbm>>
    tpu.enqueue_indirect_dma source(%dma_start3A_26 : memref<1000000x128xf32, #tpu.memory_space<hbm>>) target(%arg8 : memref<128x128xf32, #tpu.memory_space<vmem>>) offsets(%dma_start3A_23 : memref<128xi32, #tpu.memory_space<vmem>>) semaphore(%arg14 : memref<!tpu.dma_semaphore, #tpu.memory_space<semaphore_mem>>)
    %dma_start3A_27 = arith.constant 3 : i32
    %dma_start3A_28 = arith.constant 0 : i32
    %dma_start3A_29 = tpu.memref_slice %arg5[%dma_start3A_27, %dma_start3A_28] : memref<200x128xi32, #tpu.memory_space<vmem>> -> memref<1x128xi32, #tpu.memory_space<vmem>>
    %dma_start3A_30 = tpu.memref_squeeze %dma_start3A_29 : memref<1x128xi32, #tpu.memory_space<vmem>> -> memref<128xi32, #tpu.memory_space<vmem>>
    %dma_start3A_31 = arith.constant 0 : i32
    %dma_start3A_32 = arith.constant 0 : i32
    %dma_start3A_33 = tpu.memref_slice %arg3[%dma_start3A_31, %dma_start3A_32] : memref<1000000x128xf32, #tpu.memory_space<hbm>> -> memref<1000000x128xf32, #tpu.memory_space<hbm>>
    tpu.enqueue_indirect_dma source(%dma_start3A_33 : memref<1000000x128xf32, #tpu.memory_space<hbm>>) target(%arg9 : memref<128x128xf32, #tpu.memory_space<vmem>>) offsets(%dma_start3A_30 : memref<128xi32, #tpu.memory_space<vmem>>) semaphore(%arg15 : memref<!tpu.dma_semaphore, #tpu.memory_space<semaphore_mem>>)
    %scan3A = arith.constant 0 : i32
    %scan3A_34 = arith.constant 0 : i32
    %scan3A_35 = arith.constant 50 : i32
    %scan3A_36 = arith.addi %scan3A_34, %scan3A_35 : i32
    %scan3A_37 = arith.constant 1 : i32
    %scan3A_38 = scf.for %scan3A_51 = %scan3A_34 to %scan3A_36 step %scan3A_37 iter_args(%scan3A_52 = %scan3A) -> (i32)  : i32 {
      %mul3A_53 = arith.constant 4 : i32
      %mul3A_54 = arith.muli %mul3A_53, %scan3A_51 : i32
      %add3A_55 = arith.constant 0 : i32
      %add3A_56 = arith.addi %mul3A_54, %add3A_55 : i32
      %dma_wait3A_57 = arith.constant 0 : i32
      %dma_wait3A_58 = arith.constant 0 : i32
      %dma_wait3A_59 = tpu.memref_slice %arg5[%dma_wait3A_57, %dma_wait3A_58] : memref<200x128xi32, #tpu.memory_space<vmem>> -> memref<1x128xi32, #tpu.memory_space<vmem>>
      %dma_wait3A_60 = tpu.memref_squeeze %dma_wait3A_59 : memref<1x128xi32, #tpu.memory_space<vmem>> -> memref<128xi32, #tpu.memory_space<vmem>>
      %dma_wait3A_61 = arith.constant 0 : i32
      %dma_wait3A_62 = arith.constant 0 : i32
      %dma_wait3A_63 = tpu.memref_slice %arg3[%dma_wait3A_61, %dma_wait3A_62] : memref<1000000x128xf32, #tpu.memory_space<hbm>> -> memref<1000000x128xf32, #tpu.memory_space<hbm>>
      tpu.wait_indirect_dma semaphore(%arg12 : memref<!tpu.dma_semaphore, #tpu.memory_space<semaphore_mem>>) src(%dma_wait3A_63 : memref<1000000x128xf32, #tpu.memory_space<hbm>>) dst(%arg6 : memref<128x128xf32, #tpu.memory_space<vmem>>)
      %gt3A = arith.constant 0 : i32
      %gt3A_64 = arith.cmpi sgt, %scan3A_51, %gt3A : i32
      %convert_element_type3A = arith.extui %gt3A_64 : i1 to i32
      %cond3A = arith.constant 0 : i32
      %cond3A_65 = arith.cmpi ne, %convert_element_type3A, %cond3A : i32
      scf.if %cond3A_65 {
        %dma_wait3A_200 = arith.constant 0 : i32
        %dma_wait3A_201 = arith.constant 0 : i32
        %dma_wait3A_202 = tpu.memref_slice %arg4[%dma_wait3A_200, %dma_wait3A_201] : memref<819200x64xf32, #tpu.memory_space<hbm>> -> memref<128x64xf32, #tpu.memory_space<hbm>>
        %dma_wait3A_203 = arith.constant 0 : i32
        %dma_wait3A_204 = arith.constant 0 : i32
        %dma_wait3A_205 = tpu.memref_slice %arg4[%dma_wait3A_203, %dma_wait3A_204] : memref<819200x64xf32, #tpu.memory_space<hbm>> -> memref<128x64xf32, #tpu.memory_space<hbm>>
        tpu.wait_dma2 semaphore(%arg16 : memref<!tpu.dma_semaphore, #tpu.memory_space<semaphore_mem>>) src(%dma_wait3A_205 : memref<128x64xf32, #tpu.memory_space<hbm>>) dst(%arg10 : memref<128x64xf32, #tpu.memory_space<vmem>>)
      } else {
      }
      %scan3A_66 = arith.constant 0 : i32
      %scan3A_67 = arith.constant 0 : i32
      %scan3A_68 = arith.constant 32 : i32
      %scan3A_69 = arith.addi %scan3A_67, %scan3A_68 : i32
      %scan3A_70 = arith.constant 1 : i32
      %scan3A_71 = scf.for %scan3A_200 = %scan3A_67 to %scan3A_69 step %scan3A_70 iter_args(%scan3A_201 = %scan3A_66) -> (i32)  : i32 {
        %mul3A_202 = arith.constant 4 : i32
        %mul3A_203 = arith.muli %mul3A_202, %scan3A_200 : i32
        %add3A_204 = arith.constant 0 : i32
        %add3A_205 = arith.addi %mul3A_203, %add3A_204 : i32
        %get3A = arith.index_cast %add3A_205 : i32 to index
        %get3A_206 = arith.constant 0 : index
        %get3A_207 = tpu.vector_load %arg6[%get3A, %get3A_206] {strides = array<i32>} : memref<128x128xf32, #tpu.memory_space<vmem>>, vector<1x16xf32>,
        %get3A_208 = vector.shape_cast %get3A_207 : vector<1x16xf32> to vector<16xf32>
        %mul3A_209 = arith.constant 8.000000e+00 : f32
        %mul3A_210 = vector.broadcast %mul3A_209 : f32 to vector<16xf32>
        %mul3A_211 = arith.mulf %get3A_208, %mul3A_210 : vector<16xf32>
        %swap3A = arith.index_cast %add3A_205 : i32 to index
        %swap3A_212 = arith.constant 0 : index
        %swap3A_213 = tpu.vector_load %arg10[%swap3A, %swap3A_212] {strides = array<i32>} : memref<128x64xf32, #tpu.memory_space<vmem>>, vector<1x16xf32>,
        %swap3A_214 = vector.shape_cast %swap3A_213 : vector<1x16xf32> to vector<16xf32>
        %swap3A_215 = vector.shape_cast %mul3A_211 : vector<16xf32> to vector<1x16xf32>
        tpu.vector_store %arg10[%swap3A, %swap3A_212], %swap3A_215 {strides = array<i32>} : memref<128x64xf32, #tpu.memory_space<vmem>>, vector<1x16xf32>,
        %get3A_216 = arith.index_cast %add3A_205 : i32 to index
        %get3A_217 = arith.constant 16 : index
        %get3A_218 = tpu.vector_load %arg6[%get3A_216, %get3A_217] {strides = array<i32>} : memref<128x128xf32, #tpu.memory_space<vmem>>, vector<1x16xf32>,
        %get3A_219 = vector.shape_cast %get3A_218 : vector<1x16xf32> to vector<16xf32>
        %mul3A_220 = arith.constant 8.000000e+00 : f32
        %mul3A_221 = vector.broadcast %mul3A_220 : f32 to vector<16xf32>
        %mul3A_222 = arith.mulf %get3A_219, %mul3A_221 : vector<16xf32>
        %swap3A_223 = arith.index_cast %add3A_205 : i32 to index
        %swap3A_224 = arith.constant 16 : index
        %swap3A_225 = tpu.vector_load %arg10[%swap3A_223, %swap3A_224] {strides = array<i32>} : memref<128x64xf32, #tpu.memory_space<vmem>>, vector<1x16xf32>,
        %swap3A_226 = vector.shape_cast %swap3A_225 : vector<1x16xf32> to vector<16xf32>
        %swap3A_227 = vector.shape_cast %mul3A_222 : vector<16xf32> to vector<1x16xf32>
        tpu.vector_store %arg10[%swap3A_223, %swap3A_224], %swap3A_227 {strides = array<i32>} : memref<128x64xf32, #tpu.memory_space<vmem>>, vector<1x16xf32>,
        %get3A_228 = arith.index_cast %add3A_205 : i32 to index
        %get3A_229 = arith.constant 32 : index
        %get3A_230 = tpu.vector_load %arg6[%get3A_228, %get3A_229] {strides = array<i32>} : memref<128x128xf32, #tpu.memory_space<vmem>>, vector<1x16xf32>,
        %get3A_231 = vector.shape_cast %get3A_230 : vector<1x16xf32> to vector<16xf32>
        %mul3A_232 = arith.constant 8.000000e+00 : f32
        %mul3A_233 = vector.broadcast %mul3A_232 : f32 to vector<16xf32>
        %mul3A_234 = arith.mulf %get3A_231, %mul3A_233 : vector<16xf32>
        %swap3A_235 = arith.index_cast %add3A_205 : i32 to index
        %swap3A_236 = arith.constant 32 : index
        %swap3A_237 = tpu.vector_load %arg10[%swap3A_235, %swap3A_236] {strides = array<i32>} : memref<128x64xf32, #tpu.memory_space<vmem>>, vector<1x16xf32>,
        %swap3A_238 = vector.shape_cast %swap3A_237 : vector<1x16xf32> to vector<16xf32>
        %swap3A_239 = vector.shape_cast %mul3A_234 : vector<16xf32> to vector<1x16xf32>
        tpu.vector_store %arg10[%swap3A_235, %swap3A_236], %swap3A_239 {strides = array<i32>} : memref<128x64xf32, #tpu.memory_space<vmem>>, vector<1x16xf32>,
        %get3A_240 = arith.index_cast %add3A_205 : i32 to index
        %get3A_241 = arith.constant 48 : index
        %get3A_242 = tpu.vector_load %arg6[%get3A_240, %get3A_241] {strides = array<i32>} : memref<128x128xf32, #tpu.memory_space<vmem>>, vector<1x16xf32>,
        %get3A_243 = vector.shape_cast %get3A_242 : vector<1x16xf32> to vector<16xf32>
        %mul3A_244 = arith.constant 8.000000e+00 : f32
        %mul3A_245 = vector.broadcast %mul3A_244 : f32 to vector<16xf32>
        %mul3A_246 = arith.mulf %get3A_243, %mul3A_245 : vector<16xf32>
        %swap3A_247 = arith.index_cast %add3A_205 : i32 to index
        %swap3A_248 = arith.constant 48 : index
        %swap3A_249 = tpu.vector_load %arg10[%swap3A_247, %swap3A_248] {strides = array<i32>} : memref<128x64xf32, #tpu.memory_space<vmem>>, vector<1x16xf32>,
        %swap3A_250 = vector.shape_cast %swap3A_249 : vector<1x16xf32> to vector<16xf32>
        %swap3A_251 = vector.shape_cast %mul3A_246 : vector<16xf32> to vector<1x16xf32>
        tpu.vector_store %arg10[%swap3A_247, %swap3A_248], %swap3A_251 {strides = array<i32>} : memref<128x64xf32, #tpu.memory_space<vmem>>, vector<1x16xf32>,
        %mul3A_252 = arith.constant 4 : i32
        %mul3A_253 = arith.muli %mul3A_252, %scan3A_200 : i32
        %add3A_254 = arith.constant 1 : i32
        %add3A_255 = arith.addi %mul3A_253, %add3A_254 : i32
        %get3A_256 = arith.index_cast %add3A_255 : i32 to index
        %get3A_257 = arith.constant 0 : index
        %get3A_258 = tpu.vector_load %arg6[%get3A_256, %get3A_257] {strides = array<i32>} : memref<128x128xf32, #tpu.memory_space<vmem>>, vector<1x16xf32>,
        %get3A_259 = vector.shape_cast %get3A_258 : vector<1x16xf32> to vector<16xf32>
        %mul3A_260 = arith.constant 8.000000e+00 : f32
        %mul3A_261 = vector.broadcast %mul3A_260 : f32 to vector<16xf32>
        %mul3A_262 = arith.mulf %get3A_259, %mul3A_261 : vector<16xf32>
        %swap3A_263 = arith.index_cast %add3A_255 : i32 to index
        %swap3A_264 = arith.constant 0 : index
        %swap3A_265 = tpu.vector_load %arg10[%swap3A_263, %swap3A_264] {strides = array<i32>} : memref<128x64xf32, #tpu.memory_space<vmem>>, vector<1x16xf32>,
        %swap3A_266 = vector.shape_cast %swap3A_265 : vector<1x16xf32> to vector<16xf32>
        %swap3A_267 = vector.shape_cast %mul3A_262 : vector<16xf32> to vector<1x16xf32>
        tpu.vector_store %arg10[%swap3A_263, %swap3A_264], %swap3A_267 {strides = array<i32>} : memref<128x64xf32, #tpu.memory_space<vmem>>, vector<1x16xf32>,
        %get3A_268 = arith.index_cast %add3A_255 : i32 to index
        %get3A_269 = arith.constant 16 : index
        %get3A_270 = tpu.vector_load %arg6[%get3A_268, %get3A_269] {strides = array<i32>} : memref<128x128xf32, #tpu.memory_space<vmem>>, vector<1x16xf32>,
        %get3A_271 = vector.shape_cast %get3A_270 : vector<1x16xf32> to vector<16xf32>
        %mul3A_272 = arith.constant 8.000000e+00 : f32
        %mul3A_273 = vector.broadcast %mul3A_272 : f32 to vector<16xf32>
        %mul3A_274 = arith.mulf %get3A_271, %mul3A_273 : vector<16xf32>
        %swap3A_275 = arith.index_cast %add3A_255 : i32 to index
        %swap3A_276 = arith.constant 16 : index
        %swap3A_277 = tpu.vector_load %arg10[%swap3A_275, %swap3A_276] {strides = array<i32>} : memref<128x64xf32, #tpu.memory_space<vmem>>, vector<1x16xf32>,
        %swap3A_278 = vector.shape_cast %swap3A_277 : vector<1x16xf32> to vector<16xf32>
        %swap3A_279 = vector.shape_cast %mul3A_274 : vector<16xf32> to vector<1x16xf32>
        tpu.vector_store %arg10[%swap3A_275, %swap3A_276], %swap3A_279 {strides = array<i32>} : memref<128x64xf32, #tpu.memory_space<vmem>>, vector<1x16xf32>,
        %get3A_280 = arith.index_cast %add3A_255 : i32 to index
        %get3A_281 = arith.constant 32 : index
        %get3A_282 = tpu.vector_load %arg6[%get3A_280, %get3A_281] {strides = array<i32>} : memref<128x128xf32, #tpu.memory_space<vmem>>, vector<1x16xf32>,
        %get3A_283 = vector.shape_cast %get3A_282 : vector<1x16xf32> to vector<16xf32>
        %mul3A_284 = arith.constant 8.000000e+00 : f32
        %mul3A_285 = vector.broadcast %mul3A_284 : f32 to vector<16xf32>
        %mul3A_286 = arith.mulf %get3A_283, %mul3A_285 : vector<16xf32>
        %swap3A_287 = arith.index_cast %add3A_255 : i32 to index
        %swap3A_288 = arith.constant 32 : index
        %swap3A_289 = tpu.vector_load %arg10[%swap3A_287, %swap3A_288] {strides = array<i32>} : memref<128x64xf32, #tpu.memory_space<vmem>>, vector<1x16xf32>,
        %swap3A_290 = vector.shape_cast %swap3A_289 : vector<1x16xf32> to vector<16xf32>
        %swap3A_291 = vector.shape_cast %mul3A_286 : vector<16xf32> to vector<1x16xf32>
        tpu.vector_store %arg10[%swap3A_287, %swap3A_288], %swap3A_291 {strides = array<i32>} : memref<128x64xf32, #tpu.memory_space<vmem>>, vector<1x16xf32>,
        %get3A_292 = arith.index_cast %add3A_255 : i32 to index
        %get3A_293 = arith.constant 48 : index
        %get3A_294 = tpu.vector_load %arg6[%get3A_292, %get3A_293] {strides = array<i32>} : memref<128x128xf32, #tpu.memory_space<vmem>>, vector<1x16xf32>,
        %get3A_295 = vector.shape_cast %get3A_294 : vector<1x16xf32> to vector<16xf32>
        %mul3A_296 = arith.constant 8.000000e+00 : f32
        %mul3A_297 = vector.broadcast %mul3A_296 : f32 to vector<16xf32>
        %mul3A_298 = arith.mulf %get3A_295, %mul3A_297 : vector<16xf32>
        %swap3A_299 = arith.index_cast %add3A_255 : i32 to index
        %swap3A_300 = arith.constant 48 : index
        %swap3A_301 = tpu.vector_load %arg10[%swap3A_299, %swap3A_300] {strides = array<i32>} : memref<128x64xf32, #tpu.memory_space<vmem>>, vector<1x16xf32>,
        %swap3A_302 = vector.shape_cast %swap3A_301 : vector<1x16xf32> to vector<16xf32>
        %swap3A_303 = vector.shape_cast %mul3A_298 : vector<16xf32> to vector<1x16xf32>
        tpu.vector_store %arg10[%swap3A_299, %swap3A_300], %swap3A_303 {strides = array<i32>} : memref<128x64xf32, #tpu.memory_space<vmem>>, vector<1x16xf32>,
        %mul3A_304 = arith.constant 4 : i32
        %mul3A_305 = arith.muli %mul3A_304, %scan3A_200 : i32
        %add3A_306 = arith.constant 2 : i32
        %add3A_307 = arith.addi %mul3A_305, %add3A_306 : i32
        %get3A_308 = arith.index_cast %add3A_307 : i32 to index
        %get3A_309 = arith.constant 0 : index
        %get3A_310 = tpu.vector_load %arg6[%get3A_308, %get3A_309] {strides = array<i32>} : memref<128x128xf32, #tpu.memory_space<vmem>>, vector<1x16xf32>,
        %get3A_311 = vector.shape_cast %get3A_310 : vector<1x16xf32> to vector<16xf32>
        %mul3A_312 = arith.constant 8.000000e+00 : f32
        %mul3A_313 = vector.broadcast %mul3A_312 : f32 to vector<16xf32>
        %mul3A_314 = arith.mulf %get3A_311, %mul3A_313 : vector<16xf32>
        %swap3A_315 = arith.index_cast %add3A_307 : i32 to index
        %swap3A_316 = arith.constant 0 : index
        %swap3A_317 = tpu.vector_load %arg10[%swap3A_315, %swap3A_316] {strides = array<i32>} : memref<128x64xf32, #tpu.memory_space<vmem>>, vector<1x16xf32>,
        %swap3A_318 = vector.shape_cast %swap3A_317 : vector<1x16xf32> to vector<16xf32>
        %swap3A_319 = vector.shape_cast %mul3A_314 : vector<16xf32> to vector<1x16xf32>
        tpu.vector_store %arg10[%swap3A_315, %swap3A_316], %swap3A_319 {strides = array<i32>} : memref<128x64xf32, #tpu.memory_space<vmem>>, vector<1x16xf32>,
        %get3A_320 = arith.index_cast %add3A_307 : i32 to index
        %get3A_321 = arith.constant 16 : index
        %get3A_322 = tpu.vector_load %arg6[%get3A_320, %get3A_321] {strides = array<i32>} : memref<128x128xf32, #tpu.memory_space<vmem>>, vector<1x16xf32>,
        %get3A_323 = vector.shape_cast %get3A_322 : vector<1x16xf32> to vector<16xf32>
        %mul3A_324 = arith.constant 8.000000e+00 : f32
        %mul3A_325 = vector.broadcast %mul3A_324 : f32 to vector<16xf32>
        %mul3A_326 = arith.mulf %get3A_323, %mul3A_325 : vector<16xf32>
        %swap3A_327 = arith.index_cast %add3A_307 : i32 to index
        %swap3A_328 = arith.constant 16 : index
        %swap3A_329 = tpu.vector_load %arg10[%swap3A_327, %swap3A_328] {strides = array<i32>} : memref<128x64xf32, #tpu.memory_space<vmem>>, vector<1x16xf32>,
        %swap3A_330 = vector.shape_cast %swap3A_329 : vector<1x16xf32> to vector<16xf32>
        %swap3A_331 = vector.shape_cast %mul3A_326 : vector<16xf32> to vector<1x16xf32>
        tpu.vector_store %arg10[%swap3A_327, %swap3A_328], %swap3A_331 {strides = array<i32>} : memref<128x64xf32, #tpu.memory_space<vmem>>, vector<1x16xf32>,
        %get3A_332 = arith.index_cast %add3A_307 : i32 to index
        %get3A_333 = arith.constant 32 : index
        %get3A_334 = tpu.vector_load %arg6[%get3A_332, %get3A_333] {strides = array<i32>} : memref<128x128xf32, #tpu.memory_space<vmem>>, vector<1x16xf32>,
        %get3A_335 = vector.shape_cast %get3A_334 : vector<1x16xf32> to vector<16xf32>
        %mul3A_336 = arith.constant 8.000000e+00 : f32
        %mul3A_337 = vector.broadcast %mul3A_336 : f32 to vector<16xf32>
        %mul3A_338 = arith.mulf %get3A_335, %mul3A_337 : vector<16xf32>
        %swap3A_339 = arith.index_cast %add3A_307 : i32 to index
        %swap3A_340 = arith.constant 32 : index
        %swap3A_341 = tpu.vector_load %arg10[%swap3A_339, %swap3A_340] {strides = array<i32>} : memref<128x64xf32, #tpu.memory_space<vmem>>, vector<1x16xf32>,
        %swap3A_342 = vector.shape_cast %swap3A_341 : vector<1x16xf32> to vector<16xf32>
        %swap3A_343 = vector.shape_cast %mul3A_338 : vector<16xf32> to vector<1x16xf32>
        tpu.vector_store %arg10[%swap3A_339, %swap3A_340], %swap3A_343 {strides = array<i32>} : memref<128x64xf32, #tpu.memory_space<vmem>>, vector<1x16xf32>,
        %get3A_344 = arith.index_cast %add3A_307 : i32 to index
        %get3A_345 = arith.constant 48 : index
        %get3A_346 = tpu.vector_load %arg6[%get3A_344, %get3A_345] {strides = array<i32>} : memref<128x128xf32, #tpu.memory_space<vmem>>, vector<1x16xf32>,
        %get3A_347 = vector.shape_cast %get3A_346 : vector<1x16xf32> to vector<16xf32>
        %mul3A_348 = arith.constant 8.000000e+00 : f32
        %mul3A_349 = vector.broadcast %mul3A_348 : f32 to vector<16xf32>
        %mul3A_350 = arith.mulf %get3A_347, %mul3A_349 : vector<16xf32>
        %swap3A_351 = arith.index_cast %add3A_307 : i32 to index
        %swap3A_352 = arith.constant 48 : index
        %swap3A_353 = tpu.vector_load %arg10[%swap3A_351, %swap3A_352] {strides = array<i32>} : memref<128x64xf32, #tpu.memory_space<vmem>>, vector<1x16xf32>,
        %swap3A_354 = vector.shape_cast %swap3A_353 : vector<1x16xf32> to vector<16xf32>
        %swap3A_355 = vector.shape_cast %mul3A_350 : vector<16xf32> to vector<1x16xf32>
        tpu.vector_store %arg10[%swap3A_351, %swap3A_352], %swap3A_355 {strides = array<i32>} : memref<128x64xf32, #tpu.memory_space<vmem>>, vector<1x16xf32>,
        %mul3A_356 = arith.constant 4 : i32
        %mul3A_357 = arith.muli %mul3A_356, %scan3A_200 : i32
        %add3A_358 = arith.constant 3 : i32
        %add3A_359 = arith.addi %mul3A_357, %add3A_358 : i32
        %get3A_360 = arith.index_cast %add3A_359 : i32 to index
        %get3A_361 = arith.constant 0 : index
        %get3A_362 = tpu.vector_load %arg6[%get3A_360, %get3A_361] {strides = array<i32>} : memref<128x128xf32, #tpu.memory_space<vmem>>, vector<1x16xf32>,
        %get3A_363 = vector.shape_cast %get3A_362 : vector<1x16xf32> to vector<16xf32>
        %mul3A_364 = arith.constant 8.000000e+00 : f32
        %mul3A_365 = vector.broadcast %mul3A_364 : f32 to vector<16xf32>
        %mul3A_366 = arith.mulf %get3A_363, %mul3A_365 : vector<16xf32>
        %swap3A_367 = arith.index_cast %add3A_359 : i32 to index
        %swap3A_368 = arith.constant 0 : index
        %swap3A_369 = tpu.vector_load %arg10[%swap3A_367, %swap3A_368] {strides = array<i32>} : memref<128x64xf32, #tpu.memory_space<vmem>>, vector<1x16xf32>,
        %swap3A_370 = vector.shape_cast %swap3A_369 : vector<1x16xf32> to vector<16xf32>
        %swap3A_371 = vector.shape_cast %mul3A_366 : vector<16xf32> to vector<1x16xf32>
        tpu.vector_store %arg10[%swap3A_367, %swap3A_368], %swap3A_371 {strides = array<i32>} : memref<128x64xf32, #tpu.memory_space<vmem>>, vector<1x16xf32>,
        %get3A_372 = arith.index_cast %add3A_359 : i32 to index
        %get3A_373 = arith.constant 16 : index
        %get3A_374 = tpu.vector_load %arg6[%get3A_372, %get3A_373] {strides = array<i32>} : memref<128x128xf32, #tpu.memory_space<vmem>>, vector<1x16xf32>,
        %get3A_375 = vector.shape_cast %get3A_374 : vector<1x16xf32> to vector<16xf32>
        %mul3A_376 = arith.constant 8.000000e+00 : f32
        %mul3A_377 = vector.broadcast %mul3A_376 : f32 to vector<16xf32>
        %mul3A_378 = arith.mulf %get3A_375, %mul3A_377 : vector<16xf32>
        %swap3A_379 = arith.index_cast %add3A_359 : i32 to index
        %swap3A_380 = arith.constant 16 : index
        %swap3A_381 = tpu.vector_load %arg10[%swap3A_379, %swap3A_380] {strides = array<i32>} : memref<128x64xf32, #tpu.memory_space<vmem>>, vector<1x16xf32>,
        %swap3A_382 = vector.shape_cast %swap3A_381 : vector<1x16xf32> to vector<16xf32>
        %swap3A_383 = vector.shape_cast %mul3A_378 : vector<16xf32> to vector<1x16xf32>
        tpu.vector_store %arg10[%swap3A_379, %swap3A_380], %swap3A_383 {strides = array<i32>} : memref<128x64xf32, #tpu.memory_space<vmem>>, vector<1x16xf32>,
        %get3A_384 = arith.index_cast %add3A_359 : i32 to index
        %get3A_385 = arith.constant 32 : index
        %get3A_386 = tpu.vector_load %arg6[%get3A_384, %get3A_385] {strides = array<i32>} : memref<128x128xf32, #tpu.memory_space<vmem>>, vector<1x16xf32>,
        %get3A_387 = vector.shape_cast %get3A_386 : vector<1x16xf32> to vector<16xf32>
        %mul3A_388 = arith.constant 8.000000e+00 : f32
        %mul3A_389 = vector.broadcast %mul3A_388 : f32 to vector<16xf32>
        %mul3A_390 = arith.mulf %get3A_387, %mul3A_389 : vector<16xf32>
        %swap3A_391 = arith.index_cast %add3A_359 : i32 to index
        %swap3A_392 = arith.constant 32 : index
        %swap3A_393 = tpu.vector_load %arg10[%swap3A_391, %swap3A_392] {strides = array<i32>} : memref<128x64xf32, #tpu.memory_space<vmem>>, vector<1x16xf32>,
        %swap3A_394 = vector.shape_cast %swap3A_393 : vector<1x16xf32> to vector<16xf32>
        %swap3A_395 = vector.shape_cast %mul3A_390 : vector<16xf32> to vector<1x16xf32>
        tpu.vector_store %arg10[%swap3A_391, %swap3A_392], %swap3A_395 {strides = array<i32>} : memref<128x64xf32, #tpu.memory_space<vmem>>, vector<1x16xf32>,
        %get3A_396 = arith.index_cast %add3A_359 : i32 to index
        %get3A_397 = arith.constant 48 : index
        %get3A_398 = tpu.vector_load %arg6[%get3A_396, %get3A_397] {strides = array<i32>} : memref<128x128xf32, #tpu.memory_space<vmem>>, vector<1x16xf32>,
        %get3A_399 = vector.shape_cast %get3A_398 : vector<1x16xf32> to vector<16xf32>
        %mul3A_400 = arith.constant 8.000000e+00 : f32
        %mul3A_401 = vector.broadcast %mul3A_400 : f32 to vector<16xf32>
        %mul3A_402 = arith.mulf %get3A_399, %mul3A_401 : vector<16xf32>
        %swap3A_403 = arith.index_cast %add3A_359 : i32 to index
        %swap3A_404 = arith.constant 48 : index
        %swap3A_405 = tpu.vector_load %arg10[%swap3A_403, %swap3A_404] {strides = array<i32>} : memref<128x64xf32, #tpu.memory_space<vmem>>, vector<1x16xf32>,
        %swap3A_406 = vector.shape_cast %swap3A_405 : vector<1x16xf32> to vector<16xf32>
        %swap3A_407 = vector.shape_cast %mul3A_402 : vector<16xf32> to vector<1x16xf32>
        tpu.vector_store %arg10[%swap3A_403, %swap3A_404], %swap3A_407 {strides = array<i32>} : memref<128x64xf32, #tpu.memory_space<vmem>>, vector<1x16xf32>,
        %scan3A_408 = arith.constant 0 : i32
        scf.yield %scan3A_408 : i32
      }
      %scan3A_72 = arith.constant 32 : i32
      %mul3A_73 = arith.constant 128 : i32
      %mul3A_74 = arith.muli %add3A_56, %mul3A_73 : i32
      %add3A_75 = arith.addi %mul3A_6, %mul3A_74 : i32
      %dma_start3A_76 = arith.constant 0 : i32
      %dma_start3A_77 = tpu.memref_slice %arg4[%add3A_75, %dma_start3A_76] : memref<819200x64xf32, #tpu.memory_space<hbm>> -> memref<128x64xf32, #tpu.memory_space<hbm>>
      %dma_start3A_78 = arith.constant 0 : i32
      %dma_start3A_79 = tpu.memref_slice %arg4[%add3A_75, %dma_start3A_78] : memref<819200x64xf32, #tpu.memory_space<hbm>> -> memref<128x64xf32, #tpu.memory_space<hbm>>
      tpu.enqueue_dma source(%arg10 : memref<128x64xf32, #tpu.memory_space<vmem>>) target(%dma_start3A_79 : memref<128x64xf32, #tpu.memory_space<hbm>>) target_semaphore(%arg16 : memref<!tpu.dma_semaphore, #tpu.memory_space<semaphore_mem>>)
      %add3A_80 = arith.constant 4 : i32
      %add3A_81 = arith.addi %add3A_56, %add3A_80 : i32
      %lt3A = arith.constant 200 : i32
      %lt3A_82 = arith.cmpi slt, %add3A_81, %lt3A : i32
      %convert_element_type3A_83 = arith.extui %lt3A_82 : i1 to i32
      %cond3A_84 = arith.constant 0 : i32
      %cond3A_85 = arith.cmpi ne, %convert_element_type3A_83, %cond3A_84 : i32
      scf.if %cond3A_85 {
        %add3A_200 = arith.constant 4 : i32
        %add3A_201 = arith.addi %add3A_56, %add3A_200 : i32
        %dma_start3A_202 = arith.constant 0 : i32
        %dma_start3A_203 = tpu.memref_slice %arg5[%add3A_201, %dma_start3A_202] : memref<200x128xi32, #tpu.memory_space<vmem>> -> memref<1x128xi32, #tpu.memory_space<vmem>>
        %dma_start3A_204 = tpu.memref_squeeze %dma_start3A_203 : memref<1x128xi32, #tpu.memory_space<vmem>> -> memref<128xi32, #tpu.memory_space<vmem>>
        %dma_start3A_205 = arith.constant 0 : i32
        %dma_start3A_206 = arith.constant 0 : i32
        %dma_start3A_207 = tpu.memref_slice %arg3[%dma_start3A_205, %dma_start3A_206] : memref<1000000x128xf32, #tpu.memory_space<hbm>> -> memref<1000000x128xf32, #tpu.memory_space<hbm>>
        tpu.enqueue_indirect_dma source(%dma_start3A_207 : memref<1000000x128xf32, #tpu.memory_space<hbm>>) target(%arg6 : memref<128x128xf32, #tpu.memory_space<vmem>>) offsets(%dma_start3A_204 : memref<128xi32, #tpu.memory_space<vmem>>) semaphore(%arg12 : memref<!tpu.dma_semaphore, #tpu.memory_space<semaphore_mem>>)
      } else {
      }
      %mul3A_86 = arith.constant 4 : i32
      %mul3A_87 = arith.muli %mul3A_86, %scan3A_51 : i32
      %add3A_88 = arith.constant 1 : i32
      %add3A_89 = arith.addi %mul3A_87, %add3A_88 : i32
      %dma_wait3A_90 = arith.constant 0 : i32
      %dma_wait3A_91 = arith.constant 0 : i32
      %dma_wait3A_92 = tpu.memref_slice %arg5[%dma_wait3A_90, %dma_wait3A_91] : memref<200x128xi32, #tpu.memory_space<vmem>> -> memref<1x128xi32, #tpu.memory_space<vmem>>
      %dma_wait3A_93 = tpu.memref_squeeze %dma_wait3A_92 : memref<1x128xi32, #tpu.memory_space<vmem>> -> memref<128xi32, #tpu.memory_space<vmem>>
      %dma_wait3A_94 = arith.constant 0 : i32
      %dma_wait3A_95 = arith.constant 0 : i32
      %dma_wait3A_96 = tpu.memref_slice %arg3[%dma_wait3A_94, %dma_wait3A_95] : memref<1000000x128xf32, #tpu.memory_space<hbm>> -> memref<1000000x128xf32, #tpu.memory_space<hbm>>
      tpu.wait_indirect_dma semaphore(%arg13 : memref<!tpu.dma_semaphore, #tpu.memory_space<semaphore_mem>>) src(%dma_wait3A_96 : memref<1000000x128xf32, #tpu.memory_space<hbm>>) dst(%arg7 : memref<128x128xf32, #tpu.memory_space<vmem>>)
      %gt3A_97 = arith.constant 0 : i32
      %gt3A_98 = arith.cmpi sgt, %scan3A_51, %gt3A_97 : i32
      %convert_element_type3A_99 = arith.extui %gt3A_98 : i1 to i32
      %cond3A_100 = arith.constant 0 : i32
      %cond3A_101 = arith.cmpi ne, %convert_element_type3A_99, %cond3A_100 : i32
      scf.if %cond3A_101 {
        %dma_wait3A_200 = arith.constant 0 : i32
        %dma_wait3A_201 = arith.constant 0 : i32
        %dma_wait3A_202 = tpu.memref_slice %arg4[%dma_wait3A_200, %dma_wait3A_201] : memref<819200x64xf32, #tpu.memory_space<hbm>> -> memref<128x64xf32, #tpu.memory_space<hbm>>
        %dma_wait3A_203 = arith.constant 0 : i32
        %dma_wait3A_204 = arith.constant 0 : i32
        %dma_wait3A_205 = tpu.memref_slice %arg4[%dma_wait3A_203, %dma_wait3A_204] : memref<819200x64xf32, #tpu.memory_space<hbm>> -> memref<128x64xf32, #tpu.memory_space<hbm>>
        tpu.wait_dma2 semaphore(%arg17 : memref<!tpu.dma_semaphore, #tpu.memory_space<semaphore_mem>>) src(%dma_wait3A_205 : memref<128x64xf32, #tpu.memory_space<hbm>>) dst(%arg11 : memref<128x64xf32, #tpu.memory_space<vmem>>)
      } else {
      }
      %scan3A_102 = arith.constant 0 : i32
      %scan3A_103 = arith.constant 0 : i32
      %scan3A_104 = arith.constant 32 : i32
      %scan3A_105 = arith.addi %scan3A_103, %scan3A_104 : i32
      %scan3A_106 = arith.constant 1 : i32
      %scan3A_107 = scf.for %scan3A_200 = %scan3A_103 to %scan3A_105 step %scan3A_106 iter_args(%scan3A_201 = %scan3A_102) -> (i32)  : i32 {
        %mul3A_202 = arith.constant 4 : i32
        %mul3A_203 = arith.muli %mul3A_202, %scan3A_200 : i32
        %add3A_204 = arith.constant 0 : i32
        %add3A_205 = arith.addi %mul3A_203, %add3A_204 : i32
        %get3A = arith.index_cast %add3A_205 : i32 to index
        %get3A_206 = arith.constant 0 : index
        %get3A_207 = tpu.vector_load %arg7[%get3A, %get3A_206] {strides = array<i32>} : memref<128x128xf32, #tpu.memory_space<vmem>>, vector<1x16xf32>,
        %get3A_208 = vector.shape_cast %get3A_207 : vector<1x16xf32> to vector<16xf32>
        %mul3A_209 = arith.constant 8.000000e+00 : f32
        %mul3A_210 = vector.broadcast %mul3A_209 : f32 to vector<16xf32>
        %mul3A_211 = arith.mulf %get3A_208, %mul3A_210 : vector<16xf32>
        %swap3A = arith.index_cast %add3A_205 : i32 to index
        %swap3A_212 = arith.constant 0 : index
        %swap3A_213 = tpu.vector_load %arg11[%swap3A, %swap3A_212] {strides = array<i32>} : memref<128x64xf32, #tpu.memory_space<vmem>>, vector<1x16xf32>,
        %swap3A_214 = vector.shape_cast %swap3A_213 : vector<1x16xf32> to vector<16xf32>
        %swap3A_215 = vector.shape_cast %mul3A_211 : vector<16xf32> to vector<1x16xf32>
        tpu.vector_store %arg11[%swap3A, %swap3A_212], %swap3A_215 {strides = array<i32>} : memref<128x64xf32, #tpu.memory_space<vmem>>, vector<1x16xf32>,
        %get3A_216 = arith.index_cast %add3A_205 : i32 to index
        %get3A_217 = arith.constant 16 : index
        %get3A_218 = tpu.vector_load %arg7[%get3A_216, %get3A_217] {strides = array<i32>} : memref<128x128xf32, #tpu.memory_space<vmem>>, vector<1x16xf32>,
        %get3A_219 = vector.shape_cast %get3A_218 : vector<1x16xf32> to vector<16xf32>
        %mul3A_220 = arith.constant 8.000000e+00 : f32
        %mul3A_221 = vector.broadcast %mul3A_220 : f32 to vector<16xf32>
        %mul3A_222 = arith.mulf %get3A_219, %mul3A_221 : vector<16xf32>
        %swap3A_223 = arith.index_cast %add3A_205 : i32 to index
        %swap3A_224 = arith.constant 16 : index
        %swap3A_225 = tpu.vector_load %arg11[%swap3A_223, %swap3A_224] {strides = array<i32>} : memref<128x64xf32, #tpu.memory_space<vmem>>, vector<1x16xf32>,
        %swap3A_226 = vector.shape_cast %swap3A_225 : vector<1x16xf32> to vector<16xf32>
        %swap3A_227 = vector.shape_cast %mul3A_222 : vector<16xf32> to vector<1x16xf32>
        tpu.vector_store %arg11[%swap3A_223, %swap3A_224], %swap3A_227 {strides = array<i32>} : memref<128x64xf32, #tpu.memory_space<vmem>>, vector<1x16xf32>,
        %get3A_228 = arith.index_cast %add3A_205 : i32 to index
        %get3A_229 = arith.constant 32 : index
        %get3A_230 = tpu.vector_load %arg7[%get3A_228, %get3A_229] {strides = array<i32>} : memref<128x128xf32, #tpu.memory_space<vmem>>, vector<1x16xf32>,
        %get3A_231 = vector.shape_cast %get3A_230 : vector<1x16xf32> to vector<16xf32>
        %mul3A_232 = arith.constant 8.000000e+00 : f32
        %mul3A_233 = vector.broadcast %mul3A_232 : f32 to vector<16xf32>
        %mul3A_234 = arith.mulf %get3A_231, %mul3A_233 : vector<16xf32>
        %swap3A_235 = arith.index_cast %add3A_205 : i32 to index
        %swap3A_236 = arith.constant 32 : index
        %swap3A_237 = tpu.vector_load %arg11[%swap3A_235, %swap3A_236] {strides = array<i32>} : memref<128x64xf32, #tpu.memory_space<vmem>>, vector<1x16xf32>,
        %swap3A_238 = vector.shape_cast %swap3A_237 : vector<1x16xf32> to vector<16xf32>
        %swap3A_239 = vector.shape_cast %mul3A_234 : vector<16xf32> to vector<1x16xf32>
        tpu.vector_store %arg11[%swap3A_235, %swap3A_236], %swap3A_239 {strides = array<i32>} : memref<128x64xf32, #tpu.memory_space<vmem>>, vector<1x16xf32>,
        %get3A_240 = arith.index_cast %add3A_205 : i32 to index
        %get3A_241 = arith.constant 48 : index
        %get3A_242 = tpu.vector_load %arg7[%get3A_240, %get3A_241] {strides = array<i32>} : memref<128x128xf32, #tpu.memory_space<vmem>>, vector<1x16xf32>,
        %get3A_243 = vector.shape_cast %get3A_242 : vector<1x16xf32> to vector<16xf32>
        %mul3A_244 = arith.constant 8.000000e+00 : f32
        %mul3A_245 = vector.broadcast %mul3A_244 : f32 to vector<16xf32>
        %mul3A_246 = arith.mulf %get3A_243, %mul3A_245 : vector<16xf32>
        %swap3A_247 = arith.index_cast %add3A_205 : i32 to index
        %swap3A_248 = arith.constant 48 : index
        %swap3A_249 = tpu.vector_load %arg11[%swap3A_247, %swap3A_248] {strides = array<i32>} : memref<128x64xf32, #tpu.memory_space<vmem>>, vector<1x16xf32>,
        %swap3A_250 = vector.shape_cast %swap3A_249 : vector<1x16xf32> to vector<16xf32>
        %swap3A_251 = vector.shape_cast %mul3A_246 : vector<16xf32> to vector<1x16xf32>
        tpu.vector_store %arg11[%swap3A_247, %swap3A_248], %swap3A_251 {strides = array<i32>} : memref<128x64xf32, #tpu.memory_space<vmem>>, vector<1x16xf32>,
        %mul3A_252 = arith.constant 4 : i32
        %mul3A_253 = arith.muli %mul3A_252, %scan3A_200 : i32
        %add3A_254 = arith.constant 1 : i32
        %add3A_255 = arith.addi %mul3A_253, %add3A_254 : i32
        %get3A_256 = arith.index_cast %add3A_255 : i32 to index
        %get3A_257 = arith.constant 0 : index
        %get3A_258 = tpu.vector_load %arg7[%get3A_256, %get3A_257] {strides = array<i32>} : memref<128x128xf32, #tpu.memory_space<vmem>>, vector<1x16xf32>,
        %get3A_259 = vector.shape_cast %get3A_258 : vector<1x16xf32> to vector<16xf32>
        %mul3A_260 = arith.constant 8.000000e+00 : f32
        %mul3A_261 = vector.broadcast %mul3A_260 : f32 to vector<16xf32>
        %mul3A_262 = arith.mulf %get3A_259, %mul3A_261 : vector<16xf32>
        %swap3A_263 = arith.index_cast %add3A_255 : i32 to index
        %swap3A_264 = arith.constant 0 : index
        %swap3A_265 = tpu.vector_load %arg11[%swap3A_263, %swap3A_264] {strides = array<i32>} : memref<128x64xf32, #tpu.memory_space<vmem>>, vector<1x16xf32>,
        %swap3A_266 = vector.shape_cast %swap3A_265 : vector<1x16xf32> to vector<16xf32>
        %swap3A_267 = vector.shape_cast %mul3A_262 : vector<16xf32> to vector<1x16xf32>
        tpu.vector_store %arg11[%swap3A_263, %swap3A_264], %swap3A_267 {strides = array<i32>} : memref<128x64xf32, #tpu.memory_space<vmem>>, vector<1x16xf32>,
        %get3A_268 = arith.index_cast %add3A_255 : i32 to index
        %get3A_269 = arith.constant 16 : index
        %get3A_270 = tpu.vector_load %arg7[%get3A_268, %get3A_269] {strides = array<i32>} : memref<128x128xf32, #tpu.memory_space<vmem>>, vector<1x16xf32>,
        %get3A_271 = vector.shape_cast %get3A_270 : vector<1x16xf32> to vector<16xf32>
        %mul3A_272 = arith.constant 8.000000e+00 : f32
        %mul3A_273 = vector.broadcast %mul3A_272 : f32 to vector<16xf32>
        %mul3A_274 = arith.mulf %get3A_271, %mul3A_273 : vector<16xf32>
        %swap3A_275 = arith.index_cast %add3A_255 : i32 to index
        %swap3A_276 = arith.constant 16 : index
        %swap3A_277 = tpu.vector_load %arg11[%swap3A_275, %swap3A_276] {strides = array<i32>} : memref<128x64xf32, #tpu.memory_space<vmem>>, vector<1x16xf32>,
        %swap3A_278 = vector.shape_cast %swap3A_277 : vector<1x16xf32> to vector<16xf32>
        %swap3A_279 = vector.shape_cast %mul3A_274 : vector<16xf32> to vector<1x16xf32>
        tpu.vector_store %arg11[%swap3A_275, %swap3A_276], %swap3A_279 {strides = array<i32>} : memref<128x64xf32, #tpu.memory_space<vmem>>, vector<1x16xf32>,
        %get3A_280 = arith.index_cast %add3A_255 : i32 to index
        %get3A_281 = arith.constant 32 : index
        %get3A_282 = tpu.vector_load %arg7[%get3A_280, %get3A_281] {strides = array<i32>} : memref<128x128xf32, #tpu.memory_space<vmem>>, vector<1x16xf32>,
        %get3A_283 = vector.shape_cast %get3A_282 : vector<1x16xf32> to vector<16xf32>
        %mul3A_284 = arith.constant 8.000000e+00 : f32
        %mul3A_285 = vector.broadcast %mul3A_284 : f32 to vector<16xf32>
        %mul3A_286 = arith.mulf %get3A_283, %mul3A_285 : vector<16xf32>
        %swap3A_287 = arith.index_cast %add3A_255 : i32 to index
        %swap3A_288 = arith.constant 32 : index
        %swap3A_289 = tpu.vector_load %arg11[%swap3A_287, %swap3A_288] {strides = array<i32>} : memref<128x64xf32, #tpu.memory_space<vmem>>, vector<1x16xf32>,
        %swap3A_290 = vector.shape_cast %swap3A_289 : vector<1x16xf32> to vector<16xf32>
        %swap3A_291 = vector.shape_cast %mul3A_286 : vector<16xf32> to vector<1x16xf32>
        tpu.vector_store %arg11[%swap3A_287, %swap3A_288], %swap3A_291 {strides = array<i32>} : memref<128x64xf32, #tpu.memory_space<vmem>>, vector<1x16xf32>,
        %get3A_292 = arith.index_cast %add3A_255 : i32 to index
        %get3A_293 = arith.constant 48 : index
        %get3A_294 = tpu.vector_load %arg7[%get3A_292, %get3A_293] {strides = array<i32>} : memref<128x128xf32, #tpu.memory_space<vmem>>, vector<1x16xf32>,
        %get3A_295 = vector.shape_cast %get3A_294 : vector<1x16xf32> to vector<16xf32>
        %mul3A_296 = arith.constant 8.000000e+00 : f32
        %mul3A_297 = vector.broadcast %mul3A_296 : f32 to vector<16xf32>
        %mul3A_298 = arith.mulf %get3A_295, %mul3A_297 : vector<16xf32>
        %swap3A_299 = arith.index_cast %add3A_255 : i32 to index
        %swap3A_300 = arith.constant 48 : index
        %swap3A_301 = tpu.vector_load %arg11[%swap3A_299, %swap3A_300] {strides = array<i32>} : memref<128x64xf32, #tpu.memory_space<vmem>>, vector<1x16xf32>,
        %swap3A_302 = vector.shape_cast %swap3A_301 : vector<1x16xf32> to vector<16xf32>
        %swap3A_303 = vector.shape_cast %mul3A_298 : vector<16xf32> to vector<1x16xf32>
        tpu.vector_store %arg11[%swap3A_299, %swap3A_300], %swap3A_303 {strides = array<i32>} : memref<128x64xf32, #tpu.memory_space<vmem>>, vector<1x16xf32>,
        %mul3A_304 = arith.constant 4 : i32
        %mul3A_305 = arith.muli %mul3A_304, %scan3A_200 : i32
        %add3A_306 = arith.constant 2 : i32
        %add3A_307 = arith.addi %mul3A_305, %add3A_306 : i32
        %get3A_308 = arith.index_cast %add3A_307 : i32 to index
        %get3A_309 = arith.constant 0 : index
        %get3A_310 = tpu.vector_load %arg7[%get3A_308, %get3A_309] {strides = array<i32>} : memref<128x128xf32, #tpu.memory_space<vmem>>, vector<1x16xf32>,
        %get3A_311 = vector.shape_cast %get3A_310 : vector<1x16xf32> to vector<16xf32>
        %mul3A_312 = arith.constant 8.000000e+00 : f32
        %mul3A_313 = vector.broadcast %mul3A_312 : f32 to vector<16xf32>
        %mul3A_314 = arith.mulf %get3A_311, %mul3A_313 : vector<16xf32>
        %swap3A_315 = arith.index_cast %add3A_307 : i32 to index
        %swap3A_316 = arith.constant 0 : index
        %swap3A_317 = tpu.vector_load %arg11[%swap3A_315, %swap3A_316] {strides = array<i32>} : memref<128x64xf32, #tpu.memory_space<vmem>>, vector<1x16xf32>,
        %swap3A_318 = vector.shape_cast %swap3A_317 : vector<1x16xf32> to vector<16xf32>
        %swap3A_319 = vector.shape_cast %mul3A_314 : vector<16xf32> to vector<1x16xf32>
        tpu.vector_store %arg11[%swap3A_315, %swap3A_316], %swap3A_319 {strides = array<i32>} : memref<128x64xf32, #tpu.memory_space<vmem>>, vector<1x16xf32>,
        %get3A_320 = arith.index_cast %add3A_307 : i32 to index
        %get3A_321 = arith.constant 16 : index
        %get3A_322 = tpu.vector_load %arg7[%get3A_320, %get3A_321] {strides = array<i32>} : memref<128x128xf32, #tpu.memory_space<vmem>>, vector<1x16xf32>,
        %get3A_323 = vector.shape_cast %get3A_322 : vector<1x16xf32> to vector<16xf32>
        %mul3A_324 = arith.constant 8.000000e+00 : f32
        %mul3A_325 = vector.broadcast %mul3A_324 : f32 to vector<16xf32>
        %mul3A_326 = arith.mulf %get3A_323, %mul3A_325 : vector<16xf32>
        %swap3A_327 = arith.index_cast %add3A_307 : i32 to index
        %swap3A_328 = arith.constant 16 : index
        %swap3A_329 = tpu.vector_load %arg11[%swap3A_327, %swap3A_328] {strides = array<i32>} : memref<128x64xf32, #tpu.memory_space<vmem>>, vector<1x16xf32>,
        %swap3A_330 = vector.shape_cast %swap3A_329 : vector<1x16xf32> to vector<16xf32>
        %swap3A_331 = vector.shape_cast %mul3A_326 : vector<16xf32> to vector<1x16xf32>
        tpu.vector_store %arg11[%swap3A_327, %swap3A_328], %swap3A_331 {strides = array<i32>} : memref<128x64xf32, #tpu.memory_space<vmem>>, vector<1x16xf32>,
        %get3A_332 = arith.index_cast %add3A_307 : i32 to index
        %get3A_333 = arith.constant 32 : index
        %get3A_334 = tpu.vector_load %arg7[%get3A_332, %get3A_333] {strides = array<i32>} : memref<128x128xf32, #tpu.memory_space<vmem>>, vector<1x16xf32>,
        %get3A_335 = vector.shape_cast %get3A_334 : vector<1x16xf32> to vector<16xf32>
        %mul3A_336 = arith.constant 8.000000e+00 : f32
        %mul3A_337 = vector.broadcast %mul3A_336 : f32 to vector<16xf32>
        %mul3A_338 = arith.mulf %get3A_335, %mul3A_337 : vector<16xf32>
        %swap3A_339 = arith.index_cast %add3A_307 : i32 to index
        %swap3A_340 = arith.constant 32 : index
        %swap3A_341 = tpu.vector_load %arg11[%swap3A_339, %swap3A_340] {strides = array<i32>} : memref<128x64xf32, #tpu.memory_space<vmem>>, vector<1x16xf32>,
        %swap3A_342 = vector.shape_cast %swap3A_341 : vector<1x16xf32> to vector<16xf32>
        %swap3A_343 = vector.shape_cast %mul3A_338 : vector<16xf32> to vector<1x16xf32>
        tpu.vector_store %arg11[%swap3A_339, %swap3A_340], %swap3A_343 {strides = array<i32>} : memref<128x64xf32, #tpu.memory_space<vmem>>, vector<1x16xf32>,
        %get3A_344 = arith.index_cast %add3A_307 : i32 to index
        %get3A_345 = arith.constant 48 : index
        %get3A_346 = tpu.vector_load %arg7[%get3A_344, %get3A_345] {strides = array<i32>} : memref<128x128xf32, #tpu.memory_space<vmem>>, vector<1x16xf32>,
        %get3A_347 = vector.shape_cast %get3A_346 : vector<1x16xf32> to vector<16xf32>
        %mul3A_348 = arith.constant 8.000000e+00 : f32
        %mul3A_349 = vector.broadcast %mul3A_348 : f32 to vector<16xf32>
        %mul3A_350 = arith.mulf %get3A_347, %mul3A_349 : vector<16xf32>
        %swap3A_351 = arith.index_cast %add3A_307 : i32 to index
        %swap3A_352 = arith.constant 48 : index
        %swap3A_353 = tpu.vector_load %arg11[%swap3A_351, %swap3A_352] {strides = array<i32>} : memref<128x64xf32, #tpu.memory_space<vmem>>, vector<1x16xf32>,
        %swap3A_354 = vector.shape_cast %swap3A_353 : vector<1x16xf32> to vector<16xf32>
        %swap3A_355 = vector.shape_cast %mul3A_350 : vector<16xf32> to vector<1x16xf32>
        tpu.vector_store %arg11[%swap3A_351, %swap3A_352], %swap3A_355 {strides = array<i32>} : memref<128x64xf32, #tpu.memory_space<vmem>>, vector<1x16xf32>,
        %mul3A_356 = arith.constant 4 : i32
        %mul3A_357 = arith.muli %mul3A_356, %scan3A_200 : i32
        %add3A_358 = arith.constant 3 : i32
        %add3A_359 = arith.addi %mul3A_357, %add3A_358 : i32
        %get3A_360 = arith.index_cast %add3A_359 : i32 to index
        %get3A_361 = arith.constant 0 : index
        %get3A_362 = tpu.vector_load %arg7[%get3A_360, %get3A_361] {strides = array<i32>} : memref<128x128xf32, #tpu.memory_space<vmem>>, vector<1x16xf32>,
        %get3A_363 = vector.shape_cast %get3A_362 : vector<1x16xf32> to vector<16xf32>
        %mul3A_364 = arith.constant 8.000000e+00 : f32
        %mul3A_365 = vector.broadcast %mul3A_364 : f32 to vector<16xf32>
        %mul3A_366 = arith.mulf %get3A_363, %mul3A_365 : vector<16xf32>
        %swap3A_367 = arith.index_cast %add3A_359 : i32 to index
        %swap3A_368 = arith.constant 0 : index
        %swap3A_369 = tpu.vector_load %arg11[%swap3A_367, %swap3A_368] {strides = array<i32>} : memref<128x64xf32, #tpu.memory_space<vmem>>, vector<1x16xf32>,
        %swap3A_370 = vector.shape_cast %swap3A_369 : vector<1x16xf32> to vector<16xf32>
        %swap3A_371 = vector.shape_cast %mul3A_366 : vector<16xf32> to vector<1x16xf32>
        tpu.vector_store %arg11[%swap3A_367, %swap3A_368], %swap3A_371 {strides = array<i32>} : memref<128x64xf32, #tpu.memory_space<vmem>>, vector<1x16xf32>,
        %get3A_372 = arith.index_cast %add3A_359 : i32 to index
        %get3A_373 = arith.constant 16 : index
        %get3A_374 = tpu.vector_load %arg7[%get3A_372, %get3A_373] {strides = array<i32>} : memref<128x128xf32, #tpu.memory_space<vmem>>, vector<1x16xf32>,
        %get3A_375 = vector.shape_cast %get3A_374 : vector<1x16xf32> to vector<16xf32>
        %mul3A_376 = arith.constant 8.000000e+00 : f32
        %mul3A_377 = vector.broadcast %mul3A_376 : f32 to vector<16xf32>
        %mul3A_378 = arith.mulf %get3A_375, %mul3A_377 : vector<16xf32>
        %swap3A_379 = arith.index_cast %add3A_359 : i32 to index
        %swap3A_380 = arith.constant 16 : index
        %swap3A_381 = tpu.vector_load %arg11[%swap3A_379, %swap3A_380] {strides = array<i32>} : memref<128x64xf32, #tpu.memory_space<vmem>>, vector<1x16xf32>,
        %swap3A_382 = vector.shape_cast %swap3A_381 : vector<1x16xf32> to vector<16xf32>
        %swap3A_383 = vector.shape_cast %mul3A_378 : vector<16xf32> to vector<1x16xf32>
        tpu.vector_store %arg11[%swap3A_379, %swap3A_380], %swap3A_383 {strides = array<i32>} : memref<128x64xf32, #tpu.memory_space<vmem>>, vector<1x16xf32>,
        %get3A_384 = arith.index_cast %add3A_359 : i32 to index
        %get3A_385 = arith.constant 32 : index
        %get3A_386 = tpu.vector_load %arg7[%get3A_384, %get3A_385] {strides = array<i32>} : memref<128x128xf32, #tpu.memory_space<vmem>>, vector<1x16xf32>,
        %get3A_387 = vector.shape_cast %get3A_386 : vector<1x16xf32> to vector<16xf32>
        %mul3A_388 = arith.constant 8.000000e+00 : f32
        %mul3A_389 = vector.broadcast %mul3A_388 : f32 to vector<16xf32>
        %mul3A_390 = arith.mulf %get3A_387, %mul3A_389 : vector<16xf32>
        %swap3A_391 = arith.index_cast %add3A_359 : i32 to index
        %swap3A_392 = arith.constant 32 : index
        %swap3A_393 = tpu.vector_load %arg11[%swap3A_391, %swap3A_392] {strides = array<i32>} : memref<128x64xf32, #tpu.memory_space<vmem>>, vector<1x16xf32>,
        %swap3A_394 = vector.shape_cast %swap3A_393 : vector<1x16xf32> to vector<16xf32>
        %swap3A_395 = vector.shape_cast %mul3A_390 : vector<16xf32> to vector<1x16xf32>
        tpu.vector_store %arg11[%swap3A_391, %swap3A_392], %swap3A_395 {strides = array<i32>} : memref<128x64xf32, #tpu.memory_space<vmem>>, vector<1x16xf32>,
        %get3A_396 = arith.index_cast %add3A_359 : i32 to index
        %get3A_397 = arith.constant 48 : index
        %get3A_398 = tpu.vector_load %arg7[%get3A_396, %get3A_397] {strides = array<i32>} : memref<128x128xf32, #tpu.memory_space<vmem>>, vector<1x16xf32>,
        %get3A_399 = vector.shape_cast %get3A_398 : vector<1x16xf32> to vector<16xf32>
        %mul3A_400 = arith.constant 8.000000e+00 : f32
        %mul3A_401 = vector.broadcast %mul3A_400 : f32 to vector<16xf32>
        %mul3A_402 = arith.mulf %get3A_399, %mul3A_401 : vector<16xf32>
        %swap3A_403 = arith.index_cast %add3A_359 : i32 to index
        %swap3A_404 = arith.constant 48 : index
        %swap3A_405 = tpu.vector_load %arg11[%swap3A_403, %swap3A_404] {strides = array<i32>} : memref<128x64xf32, #tpu.memory_space<vmem>>, vector<1x16xf32>,
        %swap3A_406 = vector.shape_cast %swap3A_405 : vector<1x16xf32> to vector<16xf32>
        %swap3A_407 = vector.shape_cast %mul3A_402 : vector<16xf32> to vector<1x16xf32>
        tpu.vector_store %arg11[%swap3A_403, %swap3A_404], %swap3A_407 {strides = array<i32>} : memref<128x64xf32, #tpu.memory_space<vmem>>, vector<1x16xf32>,
        %scan3A_408 = arith.constant 0 : i32
        scf.yield %scan3A_408 : i32
      }
      %scan3A_108 = arith.constant 32 : i32
      %mul3A_109 = arith.constant 128 : i32
      %mul3A_110 = arith.muli %add3A_89, %mul3A_109 : i32
      %add3A_111 = arith.addi %mul3A_6, %mul3A_110 : i32
      %dma_start3A_112 = arith.constant 0 : i32
      %dma_start3A_113 = tpu.memref_slice %arg4[%add3A_111, %dma_start3A_112] : memref<819200x64xf32, #tpu.memory_space<hbm>> -> memref<128x64xf32, #tpu.memory_space<hbm>>
      %dma_start3A_114 = arith.constant 0 : i32
      %dma_start3A_115 = tpu.memref_slice %arg4[%add3A_111, %dma_start3A_114] : memref<819200x64xf32, #tpu.memory_space<hbm>> -> memref<128x64xf32, #tpu.memory_space<hbm>>
      tpu.enqueue_dma source(%arg11 : memref<128x64xf32, #tpu.memory_space<vmem>>) target(%dma_start3A_115 : memref<128x64xf32, #tpu.memory_space<hbm>>) target_semaphore(%arg17 : memref<!tpu.dma_semaphore, #tpu.memory_space<semaphore_mem>>)
      %add3A_116 = arith.constant 4 : i32
      %add3A_117 = arith.addi %add3A_89, %add3A_116 : i32
      %lt3A_118 = arith.constant 200 : i32
      %lt3A_119 = arith.cmpi slt, %add3A_117, %lt3A_118 : i32
      %convert_element_type3A_120 = arith.extui %lt3A_119 : i1 to i32
      %cond3A_121 = arith.constant 0 : i32
      %cond3A_122 = arith.cmpi ne, %convert_element_type3A_120, %cond3A_121 : i32
      scf.if %cond3A_122 {
        %add3A_200 = arith.constant 4 : i32
        %add3A_201 = arith.addi %add3A_89, %add3A_200 : i32
        %dma_start3A_202 = arith.constant 0 : i32
        %dma_start3A_203 = tpu.memref_slice %arg5[%add3A_201, %dma_start3A_202] : memref<200x128xi32, #tpu.memory_space<vmem>> -> memref<1x128xi32, #tpu.memory_space<vmem>>
        %dma_start3A_204 = tpu.memref_squeeze %dma_start3A_203 : memref<1x128xi32, #tpu.memory_space<vmem>> -> memref<128xi32, #tpu.memory_space<vmem>>
        %dma_start3A_205 = arith.constant 0 : i32
        %dma_start3A_206 = arith.constant 0 : i32
        %dma_start3A_207 = tpu.memref_slice %arg3[%dma_start3A_205, %dma_start3A_206] : memref<1000000x128xf32, #tpu.memory_space<hbm>> -> memref<1000000x128xf32, #tpu.memory_space<hbm>>
        tpu.enqueue_indirect_dma source(%dma_start3A_207 : memref<1000000x128xf32, #tpu.memory_space<hbm>>) target(%arg7 : memref<128x128xf32, #tpu.memory_space<vmem>>) offsets(%dma_start3A_204 : memref<128xi32, #tpu.memory_space<vmem>>) semaphore(%arg13 : memref<!tpu.dma_semaphore, #tpu.memory_space<semaphore_mem>>)
      } else {
      }
      %mul3A_123 = arith.constant 4 : i32
      %mul3A_124 = arith.muli %mul3A_123, %scan3A_51 : i32
      %add3A_125 = arith.constant 2 : i32
      %add3A_126 = arith.addi %mul3A_124, %add3A_125 : i32
      %dma_wait3A_127 = arith.constant 0 : i32
      %dma_wait3A_128 = arith.constant 0 : i32
      %dma_wait3A_129 = tpu.memref_slice %arg5[%dma_wait3A_127, %dma_wait3A_128] : memref<200x128xi32, #tpu.memory_space<vmem>> -> memref<1x128xi32, #tpu.memory_space<vmem>>
      %dma_wait3A_130 = tpu.memref_squeeze %dma_wait3A_129 : memref<1x128xi32, #tpu.memory_space<vmem>> -> memref<128xi32, #tpu.memory_space<vmem>>
      %dma_wait3A_131 = arith.constant 0 : i32
      %dma_wait3A_132 = arith.constant 0 : i32
      %dma_wait3A_133 = tpu.memref_slice %arg3[%dma_wait3A_131, %dma_wait3A_132] : memref<1000000x128xf32, #tpu.memory_space<hbm>> -> memref<1000000x128xf32, #tpu.memory_space<hbm>>
      tpu.wait_indirect_dma semaphore(%arg14 : memref<!tpu.dma_semaphore, #tpu.memory_space<semaphore_mem>>) src(%dma_wait3A_133 : memref<1000000x128xf32, #tpu.memory_space<hbm>>) dst(%arg8 : memref<128x128xf32, #tpu.memory_space<vmem>>)
      %dma_wait3A_134 = arith.constant 0 : i32
      %dma_wait3A_135 = arith.constant 0 : i32
      %dma_wait3A_136 = tpu.memref_slice %arg4[%dma_wait3A_134, %dma_wait3A_135] : memref<819200x64xf32, #tpu.memory_space<hbm>> -> memref<128x64xf32, #tpu.memory_space<hbm>>
      %dma_wait3A_137 = arith.constant 0 : i32
      %dma_wait3A_138 = arith.constant 0 : i32
      %dma_wait3A_139 = tpu.memref_slice %arg4[%dma_wait3A_137, %dma_wait3A_138] : memref<819200x64xf32, #tpu.memory_space<hbm>> -> memref<128x64xf32, #tpu.memory_space<hbm>>
      tpu.wait_dma2 semaphore(%arg16 : memref<!tpu.dma_semaphore, #tpu.memory_space<semaphore_mem>>) src(%dma_wait3A_139 : memref<128x64xf32, #tpu.memory_space<hbm>>) dst(%arg10 : memref<128x64xf32, #tpu.memory_space<vmem>>)
      %scan3A_140 = arith.constant 0 : i32
      %scan3A_141 = arith.constant 0 : i32
      %scan3A_142 = arith.constant 32 : i32
      %scan3A_143 = arith.addi %scan3A_141, %scan3A_142 : i32
      %scan3A_144 = arith.constant 1 : i32
      %scan3A_145 = scf.for %scan3A_200 = %scan3A_141 to %scan3A_143 step %scan3A_144 iter_args(%scan3A_201 = %scan3A_140) -> (i32)  : i32 {
        %mul3A_202 = arith.constant 4 : i32
        %mul3A_203 = arith.muli %mul3A_202, %scan3A_200 : i32
        %add3A_204 = arith.constant 0 : i32
        %add3A_205 = arith.addi %mul3A_203, %add3A_204 : i32
        %get3A = arith.index_cast %add3A_205 : i32 to index
        %get3A_206 = arith.constant 0 : index
        %get3A_207 = tpu.vector_load %arg8[%get3A, %get3A_206] {strides = array<i32>} : memref<128x128xf32, #tpu.memory_space<vmem>>, vector<1x16xf32>,
        %get3A_208 = vector.shape_cast %get3A_207 : vector<1x16xf32> to vector<16xf32>
        %mul3A_209 = arith.constant 8.000000e+00 : f32
        %mul3A_210 = vector.broadcast %mul3A_209 : f32 to vector<16xf32>
        %mul3A_211 = arith.mulf %get3A_208, %mul3A_210 : vector<16xf32>
        %swap3A = arith.index_cast %add3A_205 : i32 to index
        %swap3A_212 = arith.constant 0 : index
        %swap3A_213 = tpu.vector_load %arg10[%swap3A, %swap3A_212] {strides = array<i32>} : memref<128x64xf32, #tpu.memory_space<vmem>>, vector<1x16xf32>,
        %swap3A_214 = vector.shape_cast %swap3A_213 : vector<1x16xf32> to vector<16xf32>
        %swap3A_215 = vector.shape_cast %mul3A_211 : vector<16xf32> to vector<1x16xf32>
        tpu.vector_store %arg10[%swap3A, %swap3A_212], %swap3A_215 {strides = array<i32>} : memref<128x64xf32, #tpu.memory_space<vmem>>, vector<1x16xf32>,
        %get3A_216 = arith.index_cast %add3A_205 : i32 to index
        %get3A_217 = arith.constant 16 : index
        %get3A_218 = tpu.vector_load %arg8[%get3A_216, %get3A_217] {strides = array<i32>} : memref<128x128xf32, #tpu.memory_space<vmem>>, vector<1x16xf32>,
        %get3A_219 = vector.shape_cast %get3A_218 : vector<1x16xf32> to vector<16xf32>
        %mul3A_220 = arith.constant 8.000000e+00 : f32
        %mul3A_221 = vector.broadcast %mul3A_220 : f32 to vector<16xf32>
        %mul3A_222 = arith.mulf %get3A_219, %mul3A_221 : vector<16xf32>
        %swap3A_223 = arith.index_cast %add3A_205 : i32 to index
        %swap3A_224 = arith.constant 16 : index
        %swap3A_225 = tpu.vector_load %arg10[%swap3A_223, %swap3A_224] {strides = array<i32>} : memref<128x64xf32, #tpu.memory_space<vmem>>, vector<1x16xf32>,
        %swap3A_226 = vector.shape_cast %swap3A_225 : vector<1x16xf32> to vector<16xf32>
        %swap3A_227 = vector.shape_cast %mul3A_222 : vector<16xf32> to vector<1x16xf32>
        tpu.vector_store %arg10[%swap3A_223, %swap3A_224], %swap3A_227 {strides = array<i32>} : memref<128x64xf32, #tpu.memory_space<vmem>>, vector<1x16xf32>,
        %get3A_228 = arith.index_cast %add3A_205 : i32 to index
        %get3A_229 = arith.constant 32 : index
        %get3A_230 = tpu.vector_load %arg8[%get3A_228, %get3A_229] {strides = array<i32>} : memref<128x128xf32, #tpu.memory_space<vmem>>, vector<1x16xf32>,
        %get3A_231 = vector.shape_cast %get3A_230 : vector<1x16xf32> to vector<16xf32>
        %mul3A_232 = arith.constant 8.000000e+00 : f32
        %mul3A_233 = vector.broadcast %mul3A_232 : f32 to vector<16xf32>
        %mul3A_234 = arith.mulf %get3A_231, %mul3A_233 : vector<16xf32>
        %swap3A_235 = arith.index_cast %add3A_205 : i32 to index
        %swap3A_236 = arith.constant 32 : index
        %swap3A_237 = tpu.vector_load %arg10[%swap3A_235, %swap3A_236] {strides = array<i32>} : memref<128x64xf32, #tpu.memory_space<vmem>>, vector<1x16xf32>,
        %swap3A_238 = vector.shape_cast %swap3A_237 : vector<1x16xf32> to vector<16xf32>
        %swap3A_239 = vector.shape_cast %mul3A_234 : vector<16xf32> to vector<1x16xf32>
        tpu.vector_store %arg10[%swap3A_235, %swap3A_236], %swap3A_239 {strides = array<i32>} : memref<128x64xf32, #tpu.memory_space<vmem>>, vector<1x16xf32>,
        %get3A_240 = arith.index_cast %add3A_205 : i32 to index
        %get3A_241 = arith.constant 48 : index
        %get3A_242 = tpu.vector_load %arg8[%get3A_240, %get3A_241] {strides = array<i32>} : memref<128x128xf32, #tpu.memory_space<vmem>>, vector<1x16xf32>,
        %get3A_243 = vector.shape_cast %get3A_242 : vector<1x16xf32> to vector<16xf32>
        %mul3A_244 = arith.constant 8.000000e+00 : f32
        %mul3A_245 = vector.broadcast %mul3A_244 : f32 to vector<16xf32>
        %mul3A_246 = arith.mulf %get3A_243, %mul3A_245 : vector<16xf32>
        %swap3A_247 = arith.index_cast %add3A_205 : i32 to index
        %swap3A_248 = arith.constant 48 : index
        %swap3A_249 = tpu.vector_load %arg10[%swap3A_247, %swap3A_248] {strides = array<i32>} : memref<128x64xf32, #tpu.memory_space<vmem>>, vector<1x16xf32>,
        %swap3A_250 = vector.shape_cast %swap3A_249 : vector<1x16xf32> to vector<16xf32>
        %swap3A_251 = vector.shape_cast %mul3A_246 : vector<16xf32> to vector<1x16xf32>
        tpu.vector_store %arg10[%swap3A_247, %swap3A_248], %swap3A_251 {strides = array<i32>} : memref<128x64xf32, #tpu.memory_space<vmem>>, vector<1x16xf32>,
        %mul3A_252 = arith.constant 4 : i32
        %mul3A_253 = arith.muli %mul3A_252, %scan3A_200 : i32
        %add3A_254 = arith.constant 1 : i32
        %add3A_255 = arith.addi %mul3A_253, %add3A_254 : i32
        %get3A_256 = arith.index_cast %add3A_255 : i32 to index
        %get3A_257 = arith.constant 0 : index
        %get3A_258 = tpu.vector_load %arg8[%get3A_256, %get3A_257] {strides = array<i32>} : memref<128x128xf32, #tpu.memory_space<vmem>>, vector<1x16xf32>,
        %get3A_259 = vector.shape_cast %get3A_258 : vector<1x16xf32> to vector<16xf32>
        %mul3A_260 = arith.constant 8.000000e+00 : f32
        %mul3A_261 = vector.broadcast %mul3A_260 : f32 to vector<16xf32>
        %mul3A_262 = arith.mulf %get3A_259, %mul3A_261 : vector<16xf32>
        %swap3A_263 = arith.index_cast %add3A_255 : i32 to index
        %swap3A_264 = arith.constant 0 : index
        %swap3A_265 = tpu.vector_load %arg10[%swap3A_263, %swap3A_264] {strides = array<i32>} : memref<128x64xf32, #tpu.memory_space<vmem>>, vector<1x16xf32>,
        %swap3A_266 = vector.shape_cast %swap3A_265 : vector<1x16xf32> to vector<16xf32>
        %swap3A_267 = vector.shape_cast %mul3A_262 : vector<16xf32> to vector<1x16xf32>
        tpu.vector_store %arg10[%swap3A_263, %swap3A_264], %swap3A_267 {strides = array<i32>} : memref<128x64xf32, #tpu.memory_space<vmem>>, vector<1x16xf32>,
        %get3A_268 = arith.index_cast %add3A_255 : i32 to index
        %get3A_269 = arith.constant 16 : index
        %get3A_270 = tpu.vector_load %arg8[%get3A_268, %get3A_269] {strides = array<i32>} : memref<128x128xf32, #tpu.memory_space<vmem>>, vector<1x16xf32>,
        %get3A_271 = vector.shape_cast %get3A_270 : vector<1x16xf32> to vector<16xf32>
        %mul3A_272 = arith.constant 8.000000e+00 : f32
        %mul3A_273 = vector.broadcast %mul3A_272 : f32 to vector<16xf32>
        %mul3A_274 = arith.mulf %get3A_271, %mul3A_273 : vector<16xf32>
        %swap3A_275 = arith.index_cast %add3A_255 : i32 to index
        %swap3A_276 = arith.constant 16 : index
        %swap3A_277 = tpu.vector_load %arg10[%swap3A_275, %swap3A_276] {strides = array<i32>} : memref<128x64xf32, #tpu.memory_space<vmem>>, vector<1x16xf32>,
        %swap3A_278 = vector.shape_cast %swap3A_277 : vector<1x16xf32> to vector<16xf32>
        %swap3A_279 = vector.shape_cast %mul3A_274 : vector<16xf32> to vector<1x16xf32>
        tpu.vector_store %arg10[%swap3A_275, %swap3A_276], %swap3A_279 {strides = array<i32>} : memref<128x64xf32, #tpu.memory_space<vmem>>, vector<1x16xf32>,
        %get3A_280 = arith.index_cast %add3A_255 : i32 to index
        %get3A_281 = arith.constant 32 : index
        %get3A_282 = tpu.vector_load %arg8[%get3A_280, %get3A_281] {strides = array<i32>} : memref<128x128xf32, #tpu.memory_space<vmem>>, vector<1x16xf32>,
        %get3A_283 = vector.shape_cast %get3A_282 : vector<1x16xf32> to vector<16xf32>
        %mul3A_284 = arith.constant 8.000000e+00 : f32
        %mul3A_285 = vector.broadcast %mul3A_284 : f32 to vector<16xf32>
        %mul3A_286 = arith.mulf %get3A_283, %mul3A_285 : vector<16xf32>
        %swap3A_287 = arith.index_cast %add3A_255 : i32 to index
        %swap3A_288 = arith.constant 32 : index
        %swap3A_289 = tpu.vector_load %arg10[%swap3A_287, %swap3A_288] {strides = array<i32>} : memref<128x64xf32, #tpu.memory_space<vmem>>, vector<1x16xf32>,
        %swap3A_290 = vector.shape_cast %swap3A_289 : vector<1x16xf32> to vector<16xf32>
        %swap3A_291 = vector.shape_cast %mul3A_286 : vector<16xf32> to vector<1x16xf32>
        tpu.vector_store %arg10[%swap3A_287, %swap3A_288], %swap3A_291 {strides = array<i32>} : memref<128x64xf32, #tpu.memory_space<vmem>>, vector<1x16xf32>,
        %get3A_292 = arith.index_cast %add3A_255 : i32 to index
        %get3A_293 = arith.constant 48 : index
        %get3A_294 = tpu.vector_load %arg8[%get3A_292, %get3A_293] {strides = array<i32>} : memref<128x128xf32, #tpu.memory_space<vmem>>, vector<1x16xf32>,
        %get3A_295 = vector.shape_cast %get3A_294 : vector<1x16xf32> to vector<16xf32>
        %mul3A_296 = arith.constant 8.000000e+00 : f32
        %mul3A_297 = vector.broadcast %mul3A_296 : f32 to vector<16xf32>
        %mul3A_298 = arith.mulf %get3A_295, %mul3A_297 : vector<16xf32>
        %swap3A_299 = arith.index_cast %add3A_255 : i32 to index
        %swap3A_300 = arith.constant 48 : index
        %swap3A_301 = tpu.vector_load %arg10[%swap3A_299, %swap3A_300] {strides = array<i32>} : memref<128x64xf32, #tpu.memory_space<vmem>>, vector<1x16xf32>,
        %swap3A_302 = vector.shape_cast %swap3A_301 : vector<1x16xf32> to vector<16xf32>
        %swap3A_303 = vector.shape_cast %mul3A_298 : vector<16xf32> to vector<1x16xf32>
        tpu.vector_store %arg10[%swap3A_299, %swap3A_300], %swap3A_303 {strides = array<i32>} : memref<128x64xf32, #tpu.memory_space<vmem>>, vector<1x16xf32>,
        %mul3A_304 = arith.constant 4 : i32
        %mul3A_305 = arith.muli %mul3A_304, %scan3A_200 : i32
        %add3A_306 = arith.constant 2 : i32
        %add3A_307 = arith.addi %mul3A_305, %add3A_306 : i32
        %get3A_308 = arith.index_cast %add3A_307 : i32 to index
        %get3A_309 = arith.constant 0 : index
        %get3A_310 = tpu.vector_load %arg8[%get3A_308, %get3A_309] {strides = array<i32>} : memref<128x128xf32, #tpu.memory_space<vmem>>, vector<1x16xf32>,
        %get3A_311 = vector.shape_cast %get3A_310 : vector<1x16xf32> to vector<16xf32>
        %mul3A_312 = arith.constant 8.000000e+00 : f32
        %mul3A_313 = vector.broadcast %mul3A_312 : f32 to vector<16xf32>
        %mul3A_314 = arith.mulf %get3A_311, %mul3A_313 : vector<16xf32>
        %swap3A_315 = arith.index_cast %add3A_307 : i32 to index
        %swap3A_316 = arith.constant 0 : index
        %swap3A_317 = tpu.vector_load %arg10[%swap3A_315, %swap3A_316] {strides = array<i32>} : memref<128x64xf32, #tpu.memory_space<vmem>>, vector<1x16xf32>,
        %swap3A_318 = vector.shape_cast %swap3A_317 : vector<1x16xf32> to vector<16xf32>
        %swap3A_319 = vector.shape_cast %mul3A_314 : vector<16xf32> to vector<1x16xf32>
        tpu.vector_store %arg10[%swap3A_315, %swap3A_316], %swap3A_319 {strides = array<i32>} : memref<128x64xf32, #tpu.memory_space<vmem>>, vector<1x16xf32>,
        %get3A_320 = arith.index_cast %add3A_307 : i32 to index
        %get3A_321 = arith.constant 16 : index
        %get3A_322 = tpu.vector_load %arg8[%get3A_320, %get3A_321] {strides = array<i32>} : memref<128x128xf32, #tpu.memory_space<vmem>>, vector<1x16xf32>,
        %get3A_323 = vector.shape_cast %get3A_322 : vector<1x16xf32> to vector<16xf32>
        %mul3A_324 = arith.constant 8.000000e+00 : f32
        %mul3A_325 = vector.broadcast %mul3A_324 : f32 to vector<16xf32>
        %mul3A_326 = arith.mulf %get3A_323, %mul3A_325 : vector<16xf32>
        %swap3A_327 = arith.index_cast %add3A_307 : i32 to index
        %swap3A_328 = arith.constant 16 : index
        %swap3A_329 = tpu.vector_load %arg10[%swap3A_327, %swap3A_328] {strides = array<i32>} : memref<128x64xf32, #tpu.memory_space<vmem>>, vector<1x16xf32>,
        %swap3A_330 = vector.shape_cast %swap3A_329 : vector<1x16xf32> to vector<16xf32>
        %swap3A_331 = vector.shape_cast %mul3A_326 : vector<16xf32> to vector<1x16xf32>
        tpu.vector_store %arg10[%swap3A_327, %swap3A_328], %swap3A_331 {strides = array<i32>} : memref<128x64xf32, #tpu.memory_space<vmem>>, vector<1x16xf32>,
        %get3A_332 = arith.index_cast %add3A_307 : i32 to index
        %get3A_333 = arith.constant 32 : index
        %get3A_334 = tpu.vector_load %arg8[%get3A_332, %get3A_333] {strides = array<i32>} : memref<128x128xf32, #tpu.memory_space<vmem>>, vector<1x16xf32>,
        %get3A_335 = vector.shape_cast %get3A_334 : vector<1x16xf32> to vector<16xf32>
        %mul3A_336 = arith.constant 8.000000e+00 : f32
        %mul3A_337 = vector.broadcast %mul3A_336 : f32 to vector<16xf32>
        %mul3A_338 = arith.mulf %get3A_335, %mul3A_337 : vector<16xf32>
        %swap3A_339 = arith.index_cast %add3A_307 : i32 to index
        %swap3A_340 = arith.constant 32 : index
        %swap3A_341 = tpu.vector_load %arg10[%swap3A_339, %swap3A_340] {strides = array<i32>} : memref<128x64xf32, #tpu.memory_space<vmem>>, vector<1x16xf32>,
        %swap3A_342 = vector.shape_cast %swap3A_341 : vector<1x16xf32> to vector<16xf32>
        %swap3A_343 = vector.shape_cast %mul3A_338 : vector<16xf32> to vector<1x16xf32>
        tpu.vector_store %arg10[%swap3A_339, %swap3A_340], %swap3A_343 {strides = array<i32>} : memref<128x64xf32, #tpu.memory_space<vmem>>, vector<1x16xf32>,
        %get3A_344 = arith.index_cast %add3A_307 : i32 to index
        %get3A_345 = arith.constant 48 : index
        %get3A_346 = tpu.vector_load %arg8[%get3A_344, %get3A_345] {strides = array<i32>} : memref<128x128xf32, #tpu.memory_space<vmem>>, vector<1x16xf32>,
        %get3A_347 = vector.shape_cast %get3A_346 : vector<1x16xf32> to vector<16xf32>
        %mul3A_348 = arith.constant 8.000000e+00 : f32
        %mul3A_349 = vector.broadcast %mul3A_348 : f32 to vector<16xf32>
        %mul3A_350 = arith.mulf %get3A_347, %mul3A_349 : vector<16xf32>
        %swap3A_351 = arith.index_cast %add3A_307 : i32 to index
        %swap3A_352 = arith.constant 48 : index
        %swap3A_353 = tpu.vector_load %arg10[%swap3A_351, %swap3A_352] {strides = array<i32>} : memref<128x64xf32, #tpu.memory_space<vmem>>, vector<1x16xf32>,
        %swap3A_354 = vector.shape_cast %swap3A_353 : vector<1x16xf32> to vector<16xf32>
        %swap3A_355 = vector.shape_cast %mul3A_350 : vector<16xf32> to vector<1x16xf32>
        tpu.vector_store %arg10[%swap3A_351, %swap3A_352], %swap3A_355 {strides = array<i32>} : memref<128x64xf32, #tpu.memory_space<vmem>>, vector<1x16xf32>,
        %mul3A_356 = arith.constant 4 : i32
        %mul3A_357 = arith.muli %mul3A_356, %scan3A_200 : i32
        %add3A_358 = arith.constant 3 : i32
        %add3A_359 = arith.addi %mul3A_357, %add3A_358 : i32
        %get3A_360 = arith.index_cast %add3A_359 : i32 to index
        %get3A_361 = arith.constant 0 : index
        %get3A_362 = tpu.vector_load %arg8[%get3A_360, %get3A_361] {strides = array<i32>} : memref<128x128xf32, #tpu.memory_space<vmem>>, vector<1x16xf32>,
        %get3A_363 = vector.shape_cast %get3A_362 : vector<1x16xf32> to vector<16xf32>
        %mul3A_364 = arith.constant 8.000000e+00 : f32
        %mul3A_365 = vector.broadcast %mul3A_364 : f32 to vector<16xf32>
        %mul3A_366 = arith.mulf %get3A_363, %mul3A_365 : vector<16xf32>
        %swap3A_367 = arith.index_cast %add3A_359 : i32 to index
        %swap3A_368 = arith.constant 0 : index
        %swap3A_369 = tpu.vector_load %arg10[%swap3A_367, %swap3A_368] {strides = array<i32>} : memref<128x64xf32, #tpu.memory_space<vmem>>, vector<1x16xf32>,
        %swap3A_370 = vector.shape_cast %swap3A_369 : vector<1x16xf32> to vector<16xf32>
        %swap3A_371 = vector.shape_cast %mul3A_366 : vector<16xf32> to vector<1x16xf32>
        tpu.vector_store %arg10[%swap3A_367, %swap3A_368], %swap3A_371 {strides = array<i32>} : memref<128x64xf32, #tpu.memory_space<vmem>>, vector<1x16xf32>,
        %get3A_372 = arith.index_cast %add3A_359 : i32 to index
        %get3A_373 = arith.constant 16 : index
        %get3A_374 = tpu.vector_load %arg8[%get3A_372, %get3A_373] {strides = array<i32>} : memref<128x128xf32, #tpu.memory_space<vmem>>, vector<1x16xf32>,
        %get3A_375 = vector.shape_cast %get3A_374 : vector<1x16xf32> to vector<16xf32>
        %mul3A_376 = arith.constant 8.000000e+00 : f32
        %mul3A_377 = vector.broadcast %mul3A_376 : f32 to vector<16xf32>
        %mul3A_378 = arith.mulf %get3A_375, %mul3A_377 : vector<16xf32>
        %swap3A_379 = arith.index_cast %add3A_359 : i32 to index
        %swap3A_380 = arith.constant 16 : index
        %swap3A_381 = tpu.vector_load %arg10[%swap3A_379, %swap3A_380] {strides = array<i32>} : memref<128x64xf32, #tpu.memory_space<vmem>>, vector<1x16xf32>,
        %swap3A_382 = vector.shape_cast %swap3A_381 : vector<1x16xf32> to vector<16xf32>
        %swap3A_383 = vector.shape_cast %mul3A_378 : vector<16xf32> to vector<1x16xf32>
        tpu.vector_store %arg10[%swap3A_379, %swap3A_380], %swap3A_383 {strides = array<i32>} : memref<128x64xf32, #tpu.memory_space<vmem>>, vector<1x16xf32>,
        %get3A_384 = arith.index_cast %add3A_359 : i32 to index
        %get3A_385 = arith.constant 32 : index
        %get3A_386 = tpu.vector_load %arg8[%get3A_384, %get3A_385] {strides = array<i32>} : memref<128x128xf32, #tpu.memory_space<vmem>>, vector<1x16xf32>,
        %get3A_387 = vector.shape_cast %get3A_386 : vector<1x16xf32> to vector<16xf32>
        %mul3A_388 = arith.constant 8.000000e+00 : f32
        %mul3A_389 = vector.broadcast %mul3A_388 : f32 to vector<16xf32>
        %mul3A_390 = arith.mulf %get3A_387, %mul3A_389 : vector<16xf32>
        %swap3A_391 = arith.index_cast %add3A_359 : i32 to index
        %swap3A_392 = arith.constant 32 : index
        %swap3A_393 = tpu.vector_load %arg10[%swap3A_391, %swap3A_392] {strides = array<i32>} : memref<128x64xf32, #tpu.memory_space<vmem>>, vector<1x16xf32>,
        %swap3A_394 = vector.shape_cast %swap3A_393 : vector<1x16xf32> to vector<16xf32>
        %swap3A_395 = vector.shape_cast %mul3A_390 : vector<16xf32> to vector<1x16xf32>
        tpu.vector_store %arg10[%swap3A_391, %swap3A_392], %swap3A_395 {strides = array<i32>} : memref<128x64xf32, #tpu.memory_space<vmem>>, vector<1x16xf32>,
        %get3A_396 = arith.index_cast %add3A_359 : i32 to index
        %get3A_397 = arith.constant 48 : index
        %get3A_398 = tpu.vector_load %arg8[%get3A_396, %get3A_397] {strides = array<i32>} : memref<128x128xf32, #tpu.memory_space<vmem>>, vector<1x16xf32>,
        %get3A_399 = vector.shape_cast %get3A_398 : vector<1x16xf32> to vector<16xf32>
        %mul3A_400 = arith.constant 8.000000e+00 : f32
        %mul3A_401 = vector.broadcast %mul3A_400 : f32 to vector<16xf32>
        %mul3A_402 = arith.mulf %get3A_399, %mul3A_401 : vector<16xf32>
        %swap3A_403 = arith.index_cast %add3A_359 : i32 to index
        %swap3A_404 = arith.constant 48 : index
        %swap3A_405 = tpu.vector_load %arg10[%swap3A_403, %swap3A_404] {strides = array<i32>} : memref<128x64xf32, #tpu.memory_space<vmem>>, vector<1x16xf32>,
        %swap3A_406 = vector.shape_cast %swap3A_405 : vector<1x16xf32> to vector<16xf32>
        %swap3A_407 = vector.shape_cast %mul3A_402 : vector<16xf32> to vector<1x16xf32>
        tpu.vector_store %arg10[%swap3A_403, %swap3A_404], %swap3A_407 {strides = array<i32>} : memref<128x64xf32, #tpu.memory_space<vmem>>, vector<1x16xf32>,
        %scan3A_408 = arith.constant 0 : i32
        scf.yield %scan3A_408 : i32
      }
      %scan3A_146 = arith.constant 32 : i32
      %mul3A_147 = arith.constant 128 : i32
      %mul3A_148 = arith.muli %add3A_126, %mul3A_147 : i32
      %add3A_149 = arith.addi %mul3A_6, %mul3A_148 : i32
      %dma_start3A_150 = arith.constant 0 : i32
      %dma_start3A_151 = tpu.memref_slice %arg4[%add3A_149, %dma_start3A_150] : memref<819200x64xf32, #tpu.memory_space<hbm>> -> memref<128x64xf32, #tpu.memory_space<hbm>>
      %dma_start3A_152 = arith.constant 0 : i32
      %dma_start3A_153 = tpu.memref_slice %arg4[%add3A_149, %dma_start3A_152] : memref<819200x64xf32, #tpu.memory_space<hbm>> -> memref<128x64xf32, #tpu.memory_space<hbm>>
      tpu.enqueue_dma source(%arg10 : memref<128x64xf32, #tpu.memory_space<vmem>>) target(%dma_start3A_153 : memref<128x64xf32, #tpu.memory_space<hbm>>) target_semaphore(%arg16 : memref<!tpu.dma_semaphore, #tpu.memory_space<semaphore_mem>>)
      %add3A_154 = arith.constant 4 : i32
      %add3A_155 = arith.addi %add3A_126, %add3A_154 : i32
      %lt3A_156 = arith.constant 200 : i32
      %lt3A_157 = arith.cmpi slt, %add3A_155, %lt3A_156 : i32
      %convert_element_type3A_158 = arith.extui %lt3A_157 : i1 to i32
      %cond3A_159 = arith.constant 0 : i32
      %cond3A_160 = arith.cmpi ne, %convert_element_type3A_158, %cond3A_159 : i32
      scf.if %cond3A_160 {
        %add3A_200 = arith.constant 4 : i32
        %add3A_201 = arith.addi %add3A_126, %add3A_200 : i32
        %dma_start3A_202 = arith.constant 0 : i32
        %dma_start3A_203 = tpu.memref_slice %arg5[%add3A_201, %dma_start3A_202] : memref<200x128xi32, #tpu.memory_space<vmem>> -> memref<1x128xi32, #tpu.memory_space<vmem>>
        %dma_start3A_204 = tpu.memref_squeeze %dma_start3A_203 : memref<1x128xi32, #tpu.memory_space<vmem>> -> memref<128xi32, #tpu.memory_space<vmem>>
        %dma_start3A_205 = arith.constant 0 : i32
        %dma_start3A_206 = arith.constant 0 : i32
        %dma_start3A_207 = tpu.memref_slice %arg3[%dma_start3A_205, %dma_start3A_206] : memref<1000000x128xf32, #tpu.memory_space<hbm>> -> memref<1000000x128xf32, #tpu.memory_space<hbm>>
        tpu.enqueue_indirect_dma source(%dma_start3A_207 : memref<1000000x128xf32, #tpu.memory_space<hbm>>) target(%arg8 : memref<128x128xf32, #tpu.memory_space<vmem>>) offsets(%dma_start3A_204 : memref<128xi32, #tpu.memory_space<vmem>>) semaphore(%arg14 : memref<!tpu.dma_semaphore, #tpu.memory_space<semaphore_mem>>)
      } else {
      }
      %mul3A_161 = arith.constant 4 : i32
      %mul3A_162 = arith.muli %mul3A_161, %scan3A_51 : i32
      %add3A_163 = arith.constant 3 : i32
      %add3A_164 = arith.addi %mul3A_162, %add3A_163 : i32
      %dma_wait3A_165 = arith.constant 0 : i32
      %dma_wait3A_166 = arith.constant 0 : i32
      %dma_wait3A_167 = tpu.memref_slice %arg5[%dma_wait3A_165, %dma_wait3A_166] : memref<200x128xi32, #tpu.memory_space<vmem>> -> memref<1x128xi32, #tpu.memory_space<vmem>>
      %dma_wait3A_168 = tpu.memref_squeeze %dma_wait3A_167 : memref<1x128xi32, #tpu.memory_space<vmem>> -> memref<128xi32, #tpu.memory_space<vmem>>
      %dma_wait3A_169 = arith.constant 0 : i32
      %dma_wait3A_170 = arith.constant 0 : i32
      %dma_wait3A_171 = tpu.memref_slice %arg3[%dma_wait3A_169, %dma_wait3A_170] : memref<1000000x128xf32, #tpu.memory_space<hbm>> -> memref<1000000x128xf32, #tpu.memory_space<hbm>>
      tpu.wait_indirect_dma semaphore(%arg15 : memref<!tpu.dma_semaphore, #tpu.memory_space<semaphore_mem>>) src(%dma_wait3A_171 : memref<1000000x128xf32, #tpu.memory_space<hbm>>) dst(%arg9 : memref<128x128xf32, #tpu.memory_space<vmem>>)
      %dma_wait3A_172 = arith.constant 0 : i32
      %dma_wait3A_173 = arith.constant 0 : i32
      %dma_wait3A_174 = tpu.memref_slice %arg4[%dma_wait3A_172, %dma_wait3A_173] : memref<819200x64xf32, #tpu.memory_space<hbm>> -> memref<128x64xf32, #tpu.memory_space<hbm>>
      %dma_wait3A_175 = arith.constant 0 : i32
      %dma_wait3A_176 = arith.constant 0 : i32
      %dma_wait3A_177 = tpu.memref_slice %arg4[%dma_wait3A_175, %dma_wait3A_176] : memref<819200x64xf32, #tpu.memory_space<hbm>> -> memref<128x64xf32, #tpu.memory_space<hbm>>
      tpu.wait_dma2 semaphore(%arg17 : memref<!tpu.dma_semaphore, #tpu.memory_space<semaphore_mem>>) src(%dma_wait3A_177 : memref<128x64xf32, #tpu.memory_space<hbm>>) dst(%arg11 : memref<128x64xf32, #tpu.memory_space<vmem>>)
      %scan3A_178 = arith.constant 0 : i32
      %scan3A_179 = arith.constant 0 : i32
      %scan3A_180 = arith.constant 32 : i32
      %scan3A_181 = arith.addi %scan3A_179, %scan3A_180 : i32
      %scan3A_182 = arith.constant 1 : i32
      %scan3A_183 = scf.for %scan3A_200 = %scan3A_179 to %scan3A_181 step %scan3A_182 iter_args(%scan3A_201 = %scan3A_178) -> (i32)  : i32 {
        %mul3A_202 = arith.constant 4 : i32
        %mul3A_203 = arith.muli %mul3A_202, %scan3A_200 : i32
        %add3A_204 = arith.constant 0 : i32
        %add3A_205 = arith.addi %mul3A_203, %add3A_204 : i32
        %get3A = arith.index_cast %add3A_205 : i32 to index
        %get3A_206 = arith.constant 0 : index
        %get3A_207 = tpu.vector_load %arg9[%get3A, %get3A_206] {strides = array<i32>} : memref<128x128xf32, #tpu.memory_space<vmem>>, vector<1x16xf32>,
        %get3A_208 = vector.shape_cast %get3A_207 : vector<1x16xf32> to vector<16xf32>
        %mul3A_209 = arith.constant 8.000000e+00 : f32
        %mul3A_210 = vector.broadcast %mul3A_209 : f32 to vector<16xf32>
        %mul3A_211 = arith.mulf %get3A_208, %mul3A_210 : vector<16xf32>
        %swap3A = arith.index_cast %add3A_205 : i32 to index
        %swap3A_212 = arith.constant 0 : index
        %swap3A_213 = tpu.vector_load %arg11[%swap3A, %swap3A_212] {strides = array<i32>} : memref<128x64xf32, #tpu.memory_space<vmem>>, vector<1x16xf32>,
        %swap3A_214 = vector.shape_cast %swap3A_213 : vector<1x16xf32> to vector<16xf32>
        %swap3A_215 = vector.shape_cast %mul3A_211 : vector<16xf32> to vector<1x16xf32>
        tpu.vector_store %arg11[%swap3A, %swap3A_212], %swap3A_215 {strides = array<i32>} : memref<128x64xf32, #tpu.memory_space<vmem>>, vector<1x16xf32>,
        %get3A_216 = arith.index_cast %add3A_205 : i32 to index
        %get3A_217 = arith.constant 16 : index
        %get3A_218 = tpu.vector_load %arg9[%get3A_216, %get3A_217] {strides = array<i32>} : memref<128x128xf32, #tpu.memory_space<vmem>>, vector<1x16xf32>,
        %get3A_219 = vector.shape_cast %get3A_218 : vector<1x16xf32> to vector<16xf32>
        %mul3A_220 = arith.constant 8.000000e+00 : f32
        %mul3A_221 = vector.broadcast %mul3A_220 : f32 to vector<16xf32>
        %mul3A_222 = arith.mulf %get3A_219, %mul3A_221 : vector<16xf32>
        %swap3A_223 = arith.index_cast %add3A_205 : i32 to index
        %swap3A_224 = arith.constant 16 : index
        %swap3A_225 = tpu.vector_load %arg11[%swap3A_223, %swap3A_224] {strides = array<i32>} : memref<128x64xf32, #tpu.memory_space<vmem>>, vector<1x16xf32>,
        %swap3A_226 = vector.shape_cast %swap3A_225 : vector<1x16xf32> to vector<16xf32>
        %swap3A_227 = vector.shape_cast %mul3A_222 : vector<16xf32> to vector<1x16xf32>
        tpu.vector_store %arg11[%swap3A_223, %swap3A_224], %swap3A_227 {strides = array<i32>} : memref<128x64xf32, #tpu.memory_space<vmem>>, vector<1x16xf32>,
        %get3A_228 = arith.index_cast %add3A_205 : i32 to index
        %get3A_229 = arith.constant 32 : index
        %get3A_230 = tpu.vector_load %arg9[%get3A_228, %get3A_229] {strides = array<i32>} : memref<128x128xf32, #tpu.memory_space<vmem>>, vector<1x16xf32>,
        %get3A_231 = vector.shape_cast %get3A_230 : vector<1x16xf32> to vector<16xf32>
        %mul3A_232 = arith.constant 8.000000e+00 : f32
        %mul3A_233 = vector.broadcast %mul3A_232 : f32 to vector<16xf32>
        %mul3A_234 = arith.mulf %get3A_231, %mul3A_233 : vector<16xf32>
        %swap3A_235 = arith.index_cast %add3A_205 : i32 to index
        %swap3A_236 = arith.constant 32 : index
        %swap3A_237 = tpu.vector_load %arg11[%swap3A_235, %swap3A_236] {strides = array<i32>} : memref<128x64xf32, #tpu.memory_space<vmem>>, vector<1x16xf32>,
        %swap3A_238 = vector.shape_cast %swap3A_237 : vector<1x16xf32> to vector<16xf32>
        %swap3A_239 = vector.shape_cast %mul3A_234 : vector<16xf32> to vector<1x16xf32>
        tpu.vector_store %arg11[%swap3A_235, %swap3A_236], %swap3A_239 {strides = array<i32>} : memref<128x64xf32, #tpu.memory_space<vmem>>, vector<1x16xf32>,
        %get3A_240 = arith.index_cast %add3A_205 : i32 to index
        %get3A_241 = arith.constant 48 : index
        %get3A_242 = tpu.vector_load %arg9[%get3A_240, %get3A_241] {strides = array<i32>} : memref<128x128xf32, #tpu.memory_space<vmem>>, vector<1x16xf32>,
        %get3A_243 = vector.shape_cast %get3A_242 : vector<1x16xf32> to vector<16xf32>
        %mul3A_244 = arith.constant 8.000000e+00 : f32
        %mul3A_245 = vector.broadcast %mul3A_244 : f32 to vector<16xf32>
        %mul3A_246 = arith.mulf %get3A_243, %mul3A_245 : vector<16xf32>
        %swap3A_247 = arith.index_cast %add3A_205 : i32 to index
        %swap3A_248 = arith.constant 48 : index
        %swap3A_249 = tpu.vector_load %arg11[%swap3A_247, %swap3A_248] {strides = array<i32>} : memref<128x64xf32, #tpu.memory_space<vmem>>, vector<1x16xf32>,
        %swap3A_250 = vector.shape_cast %swap3A_249 : vector<1x16xf32> to vector<16xf32>
        %swap3A_251 = vector.shape_cast %mul3A_246 : vector<16xf32> to vector<1x16xf32>
        tpu.vector_store %arg11[%swap3A_247, %swap3A_248], %swap3A_251 {strides = array<i32>} : memref<128x64xf32, #tpu.memory_space<vmem>>, vector<1x16xf32>,
        %mul3A_252 = arith.constant 4 : i32
        %mul3A_253 = arith.muli %mul3A_252, %scan3A_200 : i32
        %add3A_254 = arith.constant 1 : i32
        %add3A_255 = arith.addi %mul3A_253, %add3A_254 : i32
        %get3A_256 = arith.index_cast %add3A_255 : i32 to index
        %get3A_257 = arith.constant 0 : index
        %get3A_258 = tpu.vector_load %arg9[%get3A_256, %get3A_257] {strides = array<i32>} : memref<128x128xf32, #tpu.memory_space<vmem>>, vector<1x16xf32>,
        %get3A_259 = vector.shape_cast %get3A_258 : vector<1x16xf32> to vector<16xf32>
        %mul3A_260 = arith.constant 8.000000e+00 : f32
        %mul3A_261 = vector.broadcast %mul3A_260 : f32 to vector<16xf32>
        %mul3A_262 = arith.mulf %get3A_259, %mul3A_261 : vector<16xf32>
        %swap3A_263 = arith.index_cast %add3A_255 : i32 to index
        %swap3A_264 = arith.constant 0 : index
        %swap3A_265 = tpu.vector_load %arg11[%swap3A_263, %swap3A_264] {strides = array<i32>} : memref<128x64xf32, #tpu.memory_space<vmem>>, vector<1x16xf32>,
        %swap3A_266 = vector.shape_cast %swap3A_265 : vector<1x16xf32> to vector<16xf32>
        %swap3A_267 = vector.shape_cast %mul3A_262 : vector<16xf32> to vector<1x16xf32>
        tpu.vector_store %arg11[%swap3A_263, %swap3A_264], %swap3A_267 {strides = array<i32>} : memref<128x64xf32, #tpu.memory_space<vmem>>, vector<1x16xf32>,
        %get3A_268 = arith.index_cast %add3A_255 : i32 to index
        %get3A_269 = arith.constant 16 : index
        %get3A_270 = tpu.vector_load %arg9[%get3A_268, %get3A_269] {strides = array<i32>} : memref<128x128xf32, #tpu.memory_space<vmem>>, vector<1x16xf32>,
        %get3A_271 = vector.shape_cast %get3A_270 : vector<1x16xf32> to vector<16xf32>
        %mul3A_272 = arith.constant 8.000000e+00 : f32
        %mul3A_273 = vector.broadcast %mul3A_272 : f32 to vector<16xf32>
        %mul3A_274 = arith.mulf %get3A_271, %mul3A_273 : vector<16xf32>
        %swap3A_275 = arith.index_cast %add3A_255 : i32 to index
        %swap3A_276 = arith.constant 16 : index
        %swap3A_277 = tpu.vector_load %arg11[%swap3A_275, %swap3A_276] {strides = array<i32>} : memref<128x64xf32, #tpu.memory_space<vmem>>, vector<1x16xf32>,
        %swap3A_278 = vector.shape_cast %swap3A_277 : vector<1x16xf32> to vector<16xf32>
        %swap3A_279 = vector.shape_cast %mul3A_274 : vector<16xf32> to vector<1x16xf32>
        tpu.vector_store %arg11[%swap3A_275, %swap3A_276], %swap3A_279 {strides = array<i32>} : memref<128x64xf32, #tpu.memory_space<vmem>>, vector<1x16xf32>,
        %get3A_280 = arith.index_cast %add3A_255 : i32 to index
        %get3A_281 = arith.constant 32 : index
        %get3A_282 = tpu.vector_load %arg9[%get3A_280, %get3A_281] {strides = array<i32>} : memref<128x128xf32, #tpu.memory_space<vmem>>, vector<1x16xf32>,
        %get3A_283 = vector.shape_cast %get3A_282 : vector<1x16xf32> to vector<16xf32>
        %mul3A_284 = arith.constant 8.000000e+00 : f32
        %mul3A_285 = vector.broadcast %mul3A_284 : f32 to vector<16xf32>
        %mul3A_286 = arith.mulf %get3A_283, %mul3A_285 : vector<16xf32>
        %swap3A_287 = arith.index_cast %add3A_255 : i32 to index
        %swap3A_288 = arith.constant 32 : index
        %swap3A_289 = tpu.vector_load %arg11[%swap3A_287, %swap3A_288] {strides = array<i32>} : memref<128x64xf32, #tpu.memory_space<vmem>>, vector<1x16xf32>,
        %swap3A_290 = vector.shape_cast %swap3A_289 : vector<1x16xf32> to vector<16xf32>
        %swap3A_291 = vector.shape_cast %mul3A_286 : vector<16xf32> to vector<1x16xf32>
        tpu.vector_store %arg11[%swap3A_287, %swap3A_288], %swap3A_291 {strides = array<i32>} : memref<128x64xf32, #tpu.memory_space<vmem>>, vector<1x16xf32>,
        %get3A_292 = arith.index_cast %add3A_255 : i32 to index
        %get3A_293 = arith.constant 48 : index
        %get3A_294 = tpu.vector_load %arg9[%get3A_292, %get3A_293] {strides = array<i32>} : memref<128x128xf32, #tpu.memory_space<vmem>>, vector<1x16xf32>,
        %get3A_295 = vector.shape_cast %get3A_294 : vector<1x16xf32> to vector<16xf32>
        %mul3A_296 = arith.constant 8.000000e+00 : f32
        %mul3A_297 = vector.broadcast %mul3A_296 : f32 to vector<16xf32>
        %mul3A_298 = arith.mulf %get3A_295, %mul3A_297 : vector<16xf32>
        %swap3A_299 = arith.index_cast %add3A_255 : i32 to index
        %swap3A_300 = arith.constant 48 : index
        %swap3A_301 = tpu.vector_load %arg11[%swap3A_299, %swap3A_300] {strides = array<i32>} : memref<128x64xf32, #tpu.memory_space<vmem>>, vector<1x16xf32>,
        %swap3A_302 = vector.shape_cast %swap3A_301 : vector<1x16xf32> to vector<16xf32>
        %swap3A_303 = vector.shape_cast %mul3A_298 : vector<16xf32> to vector<1x16xf32>
        tpu.vector_store %arg11[%swap3A_299, %swap3A_300], %swap3A_303 {strides = array<i32>} : memref<128x64xf32, #tpu.memory_space<vmem>>, vector<1x16xf32>,
        %mul3A_304 = arith.constant 4 : i32
        %mul3A_305 = arith.muli %mul3A_304, %scan3A_200 : i32
        %add3A_306 = arith.constant 2 : i32
        %add3A_307 = arith.addi %mul3A_305, %add3A_306 : i32
        %get3A_308 = arith.index_cast %add3A_307 : i32 to index
        %get3A_309 = arith.constant 0 : index
        %get3A_310 = tpu.vector_load %arg9[%get3A_308, %get3A_309] {strides = array<i32>} : memref<128x128xf32, #tpu.memory_space<vmem>>, vector<1x16xf32>,
        %get3A_311 = vector.shape_cast %get3A_310 : vector<1x16xf32> to vector<16xf32>
        %mul3A_312 = arith.constant 8.000000e+00 : f32
        %mul3A_313 = vector.broadcast %mul3A_312 : f32 to vector<16xf32>
        %mul3A_314 = arith.mulf %get3A_311, %mul3A_313 : vector<16xf32>
        %swap3A_315 = arith.index_cast %add3A_307 : i32 to index
        %swap3A_316 = arith.constant 0 : index
        %swap3A_317 = tpu.vector_load %arg11[%swap3A_315, %swap3A_316] {strides = array<i32>} : memref<128x64xf32, #tpu.memory_space<vmem>>, vector<1x16xf32>,
        %swap3A_318 = vector.shape_cast %swap3A_317 : vector<1x16xf32> to vector<16xf32>
        %swap3A_319 = vector.shape_cast %mul3A_314 : vector<16xf32> to vector<1x16xf32>
        tpu.vector_store %arg11[%swap3A_315, %swap3A_316], %swap3A_319 {strides = array<i32>} : memref<128x64xf32, #tpu.memory_space<vmem>>, vector<1x16xf32>,
        %get3A_320 = arith.index_cast %add3A_307 : i32 to index
        %get3A_321 = arith.constant 16 : index
        %get3A_322 = tpu.vector_load %arg9[%get3A_320, %get3A_321] {strides = array<i32>} : memref<128x128xf32, #tpu.memory_space<vmem>>, vector<1x16xf32>,
        %get3A_323 = vector.shape_cast %get3A_322 : vector<1x16xf32> to vector<16xf32>
        %mul3A_324 = arith.constant 8.000000e+00 : f32
        %mul3A_325 = vector.broadcast %mul3A_324 : f32 to vector<16xf32>
        %mul3A_326 = arith.mulf %get3A_323, %mul3A_325 : vector<16xf32>
        %swap3A_327 = arith.index_cast %add3A_307 : i32 to index
        %swap3A_328 = arith.constant 16 : index
        %swap3A_329 = tpu.vector_load %arg11[%swap3A_327, %swap3A_328] {strides = array<i32>} : memref<128x64xf32, #tpu.memory_space<vmem>>, vector<1x16xf32>,
        %swap3A_330 = vector.shape_cast %swap3A_329 : vector<1x16xf32> to vector<16xf32>
        %swap3A_331 = vector.shape_cast %mul3A_326 : vector<16xf32> to vector<1x16xf32>
        tpu.vector_store %arg11[%swap3A_327, %swap3A_328], %swap3A_331 {strides = array<i32>} : memref<128x64xf32, #tpu.memory_space<vmem>>, vector<1x16xf32>,
        %get3A_332 = arith.index_cast %add3A_307 : i32 to index
        %get3A_333 = arith.constant 32 : index
        %get3A_334 = tpu.vector_load %arg9[%get3A_332, %get3A_333] {strides = array<i32>} : memref<128x128xf32, #tpu.memory_space<vmem>>, vector<1x16xf32>,
        %get3A_335 = vector.shape_cast %get3A_334 : vector<1x16xf32> to vector<16xf32>
        %mul3A_336 = arith.constant 8.000000e+00 : f32
        %mul3A_337 = vector.broadcast %mul3A_336 : f32 to vector<16xf32>
        %mul3A_338 = arith.mulf %get3A_335, %mul3A_337 : vector<16xf32>
        %swap3A_339 = arith.index_cast %add3A_307 : i32 to index
        %swap3A_340 = arith.constant 32 : index
        %swap3A_341 = tpu.vector_load %arg11[%swap3A_339, %swap3A_340] {strides = array<i32>} : memref<128x64xf32, #tpu.memory_space<vmem>>, vector<1x16xf32>,
        %swap3A_342 = vector.shape_cast %swap3A_341 : vector<1x16xf32> to vector<16xf32>
        %swap3A_343 = vector.shape_cast %mul3A_338 : vector<16xf32> to vector<1x16xf32>
        tpu.vector_store %arg11[%swap3A_339, %swap3A_340], %swap3A_343 {strides = array<i32>} : memref<128x64xf32, #tpu.memory_space<vmem>>, vector<1x16xf32>,
        %get3A_344 = arith.index_cast %add3A_307 : i32 to index
        %get3A_345 = arith.constant 48 : index
        %get3A_346 = tpu.vector_load %arg9[%get3A_344, %get3A_345] {strides = array<i32>} : memref<128x128xf32, #tpu.memory_space<vmem>>, vector<1x16xf32>,
        %get3A_347 = vector.shape_cast %get3A_346 : vector<1x16xf32> to vector<16xf32>
        %mul3A_348 = arith.constant 8.000000e+00 : f32
        %mul3A_349 = vector.broadcast %mul3A_348 : f32 to vector<16xf32>
        %mul3A_350 = arith.mulf %get3A_347, %mul3A_349 : vector<16xf32>
        %swap3A_351 = arith.index_cast %add3A_307 : i32 to index
        %swap3A_352 = arith.constant 48 : index
        %swap3A_353 = tpu.vector_load %arg11[%swap3A_351, %swap3A_352] {strides = array<i32>} : memref<128x64xf32, #tpu.memory_space<vmem>>, vector<1x16xf32>,
        %swap3A_354 = vector.shape_cast %swap3A_353 : vector<1x16xf32> to vector<16xf32>
        %swap3A_355 = vector.shape_cast %mul3A_350 : vector<16xf32> to vector<1x16xf32>
        tpu.vector_store %arg11[%swap3A_351, %swap3A_352], %swap3A_355 {strides = array<i32>} : memref<128x64xf32, #tpu.memory_space<vmem>>, vector<1x16xf32>,
        %mul3A_356 = arith.constant 4 : i32
        %mul3A_357 = arith.muli %mul3A_356, %scan3A_200 : i32
        %add3A_358 = arith.constant 3 : i32
        %add3A_359 = arith.addi %mul3A_357, %add3A_358 : i32
        %get3A_360 = arith.index_cast %add3A_359 : i32 to index
        %get3A_361 = arith.constant 0 : index
        %get3A_362 = tpu.vector_load %arg9[%get3A_360, %get3A_361] {strides = array<i32>} : memref<128x128xf32, #tpu.memory_space<vmem>>, vector<1x16xf32>,
        %get3A_363 = vector.shape_cast %get3A_362 : vector<1x16xf32> to vector<16xf32>
        %mul3A_364 = arith.constant 8.000000e+00 : f32
        %mul3A_365 = vector.broadcast %mul3A_364 : f32 to vector<16xf32>
        %mul3A_366 = arith.mulf %get3A_363, %mul3A_365 : vector<16xf32>
        %swap3A_367 = arith.index_cast %add3A_359 : i32 to index
        %swap3A_368 = arith.constant 0 : index
        %swap3A_369 = tpu.vector_load %arg11[%swap3A_367, %swap3A_368] {strides = array<i32>} : memref<128x64xf32, #tpu.memory_space<vmem>>, vector<1x16xf32>,
        %swap3A_370 = vector.shape_cast %swap3A_369 : vector<1x16xf32> to vector<16xf32>
        %swap3A_371 = vector.shape_cast %mul3A_366 : vector<16xf32> to vector<1x16xf32>
        tpu.vector_store %arg11[%swap3A_367, %swap3A_368], %swap3A_371 {strides = array<i32>} : memref<128x64xf32, #tpu.memory_space<vmem>>, vector<1x16xf32>,
        %get3A_372 = arith.index_cast %add3A_359 : i32 to index
        %get3A_373 = arith.constant 16 : index
        %get3A_374 = tpu.vector_load %arg9[%get3A_372, %get3A_373] {strides = array<i32>} : memref<128x128xf32, #tpu.memory_space<vmem>>, vector<1x16xf32>,
        %get3A_375 = vector.shape_cast %get3A_374 : vector<1x16xf32> to vector<16xf32>
        %mul3A_376 = arith.constant 8.000000e+00 : f32
        %mul3A_377 = vector.broadcast %mul3A_376 : f32 to vector<16xf32>
        %mul3A_378 = arith.mulf %get3A_375, %mul3A_377 : vector<16xf32>
        %swap3A_379 = arith.index_cast %add3A_359 : i32 to index
        %swap3A_380 = arith.constant 16 : index
        %swap3A_381 = tpu.vector_load %arg11[%swap3A_379, %swap3A_380] {strides = array<i32>} : memref<128x64xf32, #tpu.memory_space<vmem>>, vector<1x16xf32>,
        %swap3A_382 = vector.shape_cast %swap3A_381 : vector<1x16xf32> to vector<16xf32>
        %swap3A_383 = vector.shape_cast %mul3A_378 : vector<16xf32> to vector<1x16xf32>
        tpu.vector_store %arg11[%swap3A_379, %swap3A_380], %swap3A_383 {strides = array<i32>} : memref<128x64xf32, #tpu.memory_space<vmem>>, vector<1x16xf32>,
        %get3A_384 = arith.index_cast %add3A_359 : i32 to index
        %get3A_385 = arith.constant 32 : index
        %get3A_386 = tpu.vector_load %arg9[%get3A_384, %get3A_385] {strides = array<i32>} : memref<128x128xf32, #tpu.memory_space<vmem>>, vector<1x16xf32>,
        %get3A_387 = vector.shape_cast %get3A_386 : vector<1x16xf32> to vector<16xf32>
        %mul3A_388 = arith.constant 8.000000e+00 : f32
        %mul3A_389 = vector.broadcast %mul3A_388 : f32 to vector<16xf32>
        %mul3A_390 = arith.mulf %get3A_387, %mul3A_389 : vector<16xf32>
        %swap3A_391 = arith.index_cast %add3A_359 : i32 to index
        %swap3A_392 = arith.constant 32 : index
        %swap3A_393 = tpu.vector_load %arg11[%swap3A_391, %swap3A_392] {strides = array<i32>} : memref<128x64xf32, #tpu.memory_space<vmem>>, vector<1x16xf32>,
        %swap3A_394 = vector.shape_cast %swap3A_393 : vector<1x16xf32> to vector<16xf32>
        %swap3A_395 = vector.shape_cast %mul3A_390 : vector<16xf32> to vector<1x16xf32>
        tpu.vector_store %arg11[%swap3A_391, %swap3A_392], %swap3A_395 {strides = array<i32>} : memref<128x64xf32, #tpu.memory_space<vmem>>, vector<1x16xf32>,
        %get3A_396 = arith.index_cast %add3A_359 : i32 to index
        %get3A_397 = arith.constant 48 : index
        %get3A_398 = tpu.vector_load %arg9[%get3A_396, %get3A_397] {strides = array<i32>} : memref<128x128xf32, #tpu.memory_space<vmem>>, vector<1x16xf32>,
        %get3A_399 = vector.shape_cast %get3A_398 : vector<1x16xf32> to vector<16xf32>
        %mul3A_400 = arith.constant 8.000000e+00 : f32
        %mul3A_401 = vector.broadcast %mul3A_400 : f32 to vector<16xf32>
        %mul3A_402 = arith.mulf %get3A_399, %mul3A_401 : vector<16xf32>
        %swap3A_403 = arith.index_cast %add3A_359 : i32 to index
        %swap3A_404 = arith.constant 48 : index
        %swap3A_405 = tpu.vector_load %arg11[%swap3A_403, %swap3A_404] {strides = array<i32>} : memref<128x64xf32, #tpu.memory_space<vmem>>, vector<1x16xf32>,
        %swap3A_406 = vector.shape_cast %swap3A_405 : vector<1x16xf32> to vector<16xf32>
        %swap3A_407 = vector.shape_cast %mul3A_402 : vector<16xf32> to vector<1x16xf32>
        tpu.vector_store %arg11[%swap3A_403, %swap3A_404], %swap3A_407 {strides = array<i32>} : memref<128x64xf32, #tpu.memory_space<vmem>>, vector<1x16xf32>,
        %scan3A_408 = arith.constant 0 : i32
        scf.yield %scan3A_408 : i32
      }
      %scan3A_184 = arith.constant 32 : i32
      %mul3A_185 = arith.constant 128 : i32
      %mul3A_186 = arith.muli %add3A_164, %mul3A_185 : i32
      %add3A_187 = arith.addi %mul3A_6, %mul3A_186 : i32
      %dma_start3A_188 = arith.constant 0 : i32
      %dma_start3A_189 = tpu.memref_slice %arg4[%add3A_187, %dma_start3A_188] : memref<819200x64xf32, #tpu.memory_space<hbm>> -> memref<128x64xf32, #tpu.memory_space<hbm>>
      %dma_start3A_190 = arith.constant 0 : i32
      %dma_start3A_191 = tpu.memref_slice %arg4[%add3A_187, %dma_start3A_190] : memref<819200x64xf32, #tpu.memory_space<hbm>> -> memref<128x64xf32, #tpu.memory_space<hbm>>
      tpu.enqueue_dma source(%arg11 : memref<128x64xf32, #tpu.memory_space<vmem>>) target(%dma_start3A_191 : memref<128x64xf32, #tpu.memory_space<hbm>>) target_semaphore(%arg17 : memref<!tpu.dma_semaphore, #tpu.memory_space<semaphore_mem>>)
      %add3A_192 = arith.constant 4 : i32
      %add3A_193 = arith.addi %add3A_164, %add3A_192 : i32
      %lt3A_194 = arith.constant 200 : i32
      %lt3A_195 = arith.cmpi slt, %add3A_193, %lt3A_194 : i32
      %convert_element_type3A_196 = arith.extui %lt3A_195 : i1 to i32
      %cond3A_197 = arith.constant 0 : i32
      %cond3A_198 = arith.cmpi ne, %convert_element_type3A_196, %cond3A_197 : i32
      scf.if %cond3A_198 {
        %add3A_200 = arith.constant 4 : i32
        %add3A_201 = arith.addi %add3A_164, %add3A_200 : i32
        %dma_start3A_202 = arith.constant 0 : i32
        %dma_start3A_203 = tpu.memref_slice %arg5[%add3A_201, %dma_start3A_202] : memref<200x128xi32, #tpu.memory_space<vmem>> -> memref<1x128xi32, #tpu.memory_space<vmem>>
        %dma_start3A_204 = tpu.memref_squeeze %dma_start3A_203 : memref<1x128xi32, #tpu.memory_space<vmem>> -> memref<128xi32, #tpu.memory_space<vmem>>
        %dma_start3A_205 = arith.constant 0 : i32
        %dma_start3A_206 = arith.constant 0 : i32
        %dma_start3A_207 = tpu.memref_slice %arg3[%dma_start3A_205, %dma_start3A_206] : memref<1000000x128xf32, #tpu.memory_space<hbm>> -> memref<1000000x128xf32, #tpu.memory_space<hbm>>
        tpu.enqueue_indirect_dma source(%dma_start3A_207 : memref<1000000x128xf32, #tpu.memory_space<hbm>>) target(%arg9 : memref<128x128xf32, #tpu.memory_space<vmem>>) offsets(%dma_start3A_204 : memref<128xi32, #tpu.memory_space<vmem>>) semaphore(%arg15 : memref<!tpu.dma_semaphore, #tpu.memory_space<semaphore_mem>>)
      } else {
      }
      %scan3A_199 = arith.constant 0 : i32
      scf.yield %scan3A_199 : i32
    }
    %scan3A_39 = arith.constant 50 : i32
    %dma_wait3A = arith.constant 0 : i32
    %dma_wait3A_40 = arith.constant 0 : i32
    %dma_wait3A_41 = tpu.memref_slice %arg4[%dma_wait3A, %dma_wait3A_40] : memref<819200x64xf32, #tpu.memory_space<hbm>> -> memref<128x64xf32, #tpu.memory_space<hbm>>
    %dma_wait3A_42 = arith.constant 0 : i32
    %dma_wait3A_43 = arith.constant 0 : i32
    %dma_wait3A_44 = tpu.memref_slice %arg4[%dma_wait3A_42, %dma_wait3A_43] : memref<819200x64xf32, #tpu.memory_space<hbm>> -> memref<128x64xf32, #tpu.memory_space<hbm>>
    tpu.wait_dma2 semaphore(%arg16 : memref<!tpu.dma_semaphore, #tpu.memory_space<semaphore_mem>>) src(%dma_wait3A_44 : memref<128x64xf32, #tpu.memory_space<hbm>>) dst(%arg10 : memref<128x64xf32, #tpu.memory_space<vmem>>)
    %dma_wait3A_45 = arith.constant 0 : i32
    %dma_wait3A_46 = arith.constant 0 : i32
    %dma_wait3A_47 = tpu.memref_slice %arg4[%dma_wait3A_45, %dma_wait3A_46] : memref<819200x64xf32, #tpu.memory_space<hbm>> -> memref<128x64xf32, #tpu.memory_space<hbm>>
    %dma_wait3A_48 = arith.constant 0 : i32
    %dma_wait3A_49 = arith.constant 0 : i32
    %dma_wait3A_50 = tpu.memref_slice %arg4[%dma_wait3A_48, %dma_wait3A_49] : memref<819200x64xf32, #tpu.memory_space<hbm>> -> memref<128x64xf32, #tpu.memory_space<hbm>>
    tpu.wait_dma2 semaphore(%arg17 : memref<!tpu.dma_semaphore, #tpu.memory_space<semaphore_mem>>) src(%dma_wait3A_50 : memref<128x64xf32, #tpu.memory_space<hbm>>) dst(%arg11 : memref<128x64xf32, #tpu.memory_space<vmem>>)
    return
  }
}

</mosaic_0001>

<sc_bundles>
// kernel: kernel.3.cloned.1.call-start
scs
__scs_entry_jumppad:
0x0: {  	(pc) =	sbr.rel $0x88, $3  }
0x1: {  	(tag) =	ssettag $0x0;
	lr =	simm.s32 $0x1  }
0x2: {  	[smem:$0x3F9F] =	sst lr;
	_ =	strace $0xD0000000  }
0x3: {  	_ = 	snop  }
0x4: {  	_ = 	snop  }
0x5: {  	_ = 	snop  }
0x6: {  	_ = 	snop  }
0x7: {  	_ = 	snop  }
__scs_overlays_trampoline_lowered:
0x8: {  	[smem:$0x3FAE] =	sst s0  }
0x9: {  	[smem:$0x3FAF] =	sst s1  }
0xa: {  	[smem:$0x3FB0] =	sst s2  }
0xb: {  	[smem:$0x3FB1] =	sst s3  }
0xc: {  	[smem:$0x3FB2] =	sst s4  }
0xd: {  	[smem:$0x3FB3] =	sst s5  }
0xe: {  	[smem:$0x3FB4] =	sst s6  }
0xf: {  	[smem:$0x3FB5] =	sst s7  }
0x10: {  	[smem:$0x3FB6] =	sst s8  }
0x11: {  	[smem:$0x3FB7] =	sst s9;
	s0 =	simm.s32 @!p0 $0x0  }
0x12: {  	s1 =	sld [smem:$0x3F9D];
	s0 =	simm.s32 @p0 $0x1  }
0x13: {  	[smem:$0x3FB8] =	sst s0;
	s0 =	simm.s32 @!p1 $0x0  }
0x14: {  	s2 =	sld [smem:$0x3F9C];
	s0 =	simm.s32 @p1 $0x1  }
0x15: {  	[smem:$0x3FB9] =	sst s0;
	s0 =	simm.s32 @!p2 $0x0  }
0x16: {  	s3 =	sld [smem:$0x3FDB];
	s0 =	simm.s32 @p2 $0x1  }
0x17: {  	s4 =	simm.s32 $0x1BF5;
	[smem:$0x3FBB] =	sst s0  }
0x18: {  	s0 =	sld [smem:$0x3F9E];
	_ =	swait.ge [sflag:s4], $0x0  }
0x19: {  	s7 =	sld [smem:$0x3F9F]  }
0x1a: {  	s8 =	sadd.s32 $0xFFFFE003, lr  }
0x1b: {  	s9 =	sadd.s32 $0xFFFFFEF7, lr;
	s5 =	simm.s32 $0xFFFFFFFF;
	p2 =	slt.u32 s8, $0xFFFFF086  }
0x1c: {  	p1 =	slt.u32 s9, $0xF7A;
	s5 =	simm.s32 @!p2 $0x0  }
0x1d: {  	s5 =	simm.s32 @p1 $0x1;
	p0 =	seq.s32 s7, s2  }
0x1e: {  	s7 =	smul.u32 @!p0 $0xF7A, s2;
	p2 =	seq.s32 @!p0 s5, $0x0  }
0x1f: {  	s9 =	smul.u32 $0xF7A, s1;
	s8 =	simm.s32 @!p0 $0x1BF5;
	p2 =	por !p2, p0  }
0x20: {  	[sflag:s8] =	ssyncset.s32 @!p0 $0xFFFFF086;
	s6 =	sadd.s32 @!p0 s3, s7;
	s7 =	simm.s32 @!p0 $0x108  }
0x21: {  	s3 =	sadd.s32 s3, s9;
	s6 =	sadd.s32 @!p0 $0x88, s6;
	s7 =	simm.s32 @p2 $0x1082  }
0x22: {  	[simem:s7], [sflag:s8] =	dma.local @!p0 [hbm:s6], $0xF7A  }
0x23: {  	s9 =	sor.u32 $0xD0000000, s2;
	s6 =	simm.s32 $0x108;
	_ =	swait.ge @!p0 [sflag:s8], $0x0  }
0x24: {  	s3 =	sadd.s32 $0x88, s3;
	s6 =	simm.s32 @!p1 $0x1082;
	[sflag:s4] =	ssyncset.s32 $0xFFFFF086  }
0x25: {  	[simem:s6], [sflag:s4] =	dma.local [hbm:s3], $0xF7A  }
0x26: {  	[smem:$0x3F9F] =	sst s1;
	(tag) =	ssettag s2;
	_ =	strace s9  }
0x27: {  	s1 =	sld [smem:$0x3FAF]  }
0x28: {  	s2 =	sld [smem:$0x3FB0]  }
0x29: {  	s4 =	sld [smem:$0x3FB2]  }
0x2a: {  	p0 =	seq.s32 s5, $0x0;
	s5 =	sld [smem:$0x3FB3]  }
0x2b: {  	s6 =	sld [smem:$0x3FB4]  }
0x2c: {  	s7 =	sld [smem:$0x3FB5]  }
0x2d: {  	s3 =	simm.s32 $0x108;
	s8 =	sld [smem:$0x3FB6]  }
0x2e: {  	s3 =	simm.s32 @!p0 $0x1082;
	s9 =	sld [smem:$0x3FB7]  }
0x2f: {  	lr =	sadd.s32 s0, s3;
	s0 =	sld [smem:$0x3FAE]  }
0x30: {  	s3 =	sld [smem:$0x3FB1]  }
0x31: {  	[smem:$0x3FBA] =	sst s10  }
0x32: {  	s10 =	sld [smem:$0x3FB8];
	_ =	sdelay $0x3  }
0x33: {  	p0 =	seq.s32 s10, $0x1;
	s10 =	sld [smem:$0x3FBA];
	_ =	sdelay $0x3  }
0x34: {  	[smem:$0x3FBA] =	sst s10  }
0x35: {  	s10 =	sld [smem:$0x3FB9];
	_ =	sdelay $0x3  }
0x36: {  	p1 =	seq.s32 s10, $0x1;
	s10 =	sld [smem:$0x3FBA];
	_ =	sdelay $0x3  }
0x37: {  	[smem:$0x3FBA] =	sst s10  }
0x38: {  	s10 =	sld [smem:$0x3FBB]  }
0x39: {  	_ = 	snop;
	(pc) =	sbr.ind lr, $3  }
0x3a: {  	_ = 	snop  }
0x3b: {  	_ = 	snop  }
0x3c: {  	p2 =	seq.s32 s10, $0x1;
	s10 =	sld [smem:$0x3FBA]  }
0x3d: {  	_ =	shalt  }
0x3e: {  	_ =	shalt  }
0x3f: {  	_ =	shalt  }
0x40: {  	_ =	shalt  }
0x41: {  	_ =	shalt  }
0x42: {  	_ =	shalt  }
0x43: {  	_ =	shalt  }
0x44: {  	_ =	shalt  }
0x45: {  	_ =	shalt  }
0x46: {  	_ =	shalt  }
0x47: {  	_ =	shalt  }
0x48: {  	_ =	shalt  }
0x49: {  	_ =	shalt  }
0x4a: {  	_ =	shalt  }
0x4b: {  	_ =	shalt  }
0x4c: {  	_ =	shalt  }
0x4d: {  	_ =	shalt  }
0x4e: {  	_ =	shalt  }
0x4f: {  	_ =	shalt  }
0x50: {  	_ =	shalt  }
0x51: {  	_ =	shalt  }
0x52: {  	_ =	shalt  }
0x53: {  	_ =	shalt  }
0x54: {  	_ =	shalt  }
0x55: {  	_ =	shalt  }
0x56: {  	_ =	shalt  }
0x57: {  	_ =	shalt  }
0x58: {  	_ =	shalt  }
0x59: {  	_ =	shalt  }
0x5a: {  	_ =	shalt  }
0x5b: {  	_ =	shalt  }
0x5c: {  	_ =	shalt  }
0x5d: {  	_ =	shalt  }
0x5e: {  	_ =	shalt  }
0x5f: {  	_ =	shalt  }
0x60: {  	_ =	shalt  }
0x61: {  	_ =	shalt  }
0x62: {  	_ =	shalt  }
0x63: {  	_ =	shalt  }
0x64: {  	_ =	shalt  }
0x65: {  	_ =	shalt  }
0x66: {  	_ =	shalt  }
0x67: {  	_ =	shalt  }
0x68: {  	_ =	shalt  }
0x69: {  	_ =	shalt  }
0x6a: {  	_ =	shalt  }
0x6b: {  	_ =	shalt  }
0x6c: {  	_ =	shalt  }
0x6d: {  	_ =	shalt  }
0x6e: {  	_ =	shalt  }
0x6f: {  	_ =	shalt  }
0x70: {  	_ =	shalt  }
0x71: {  	_ =	shalt  }
0x72: {  	_ =	shalt  }
0x73: {  	_ =	shalt  }
0x74: {  	_ =	shalt  }
0x75: {  	_ =	shalt  }
0x76: {  	_ =	shalt  }
0x77: {  	_ =	shalt  }
0x78: {  	_ =	shalt  }
0x79: {  	_ =	shalt  }
0x7a: {  	_ =	shalt  }
0x7b: {  	_ =	shalt  }
0x7c: {  	_ =	shalt  }
0x7d: {  	_ =	shalt  }
0x7e: {  	_ =	shalt  }
0x7f: {  	_ =	shalt  }
0x80: {  	_ =	shalt  }
0x81: {  	_ =	shalt  }
0x82: {  	_ =	shalt  }
0x83: {  	_ =	shalt  }
0x84: {  	_ =	shalt  }
0x85: {  	_ =	shalt  }
0x86: {  	_ =	shalt  }
0x87: {  	_ =	shalt  }
.Lfunc_end0:
.L_simem_size_0:
called_computation.1_lowered:
.L_overlay_start_0:
0x88: {  	s2 =	sld [smem:$0x3FD9]  }
0x89: {  	s3 =	sld [smem:$0x3FFE];
	_ =	sdelay $0x1  }
0x8a: {  	s1 =	srdreg.scid  }
0x8b: {  	s0 =	sand.u32 $0x1, s1  }
0x8c: {  	s17 =	sshll.u32 s0, $0xA;
	s2 =	sadd.s32 s3, s2  }
0x8d: {  	s2 =	sadd.s32 s2, s17  }
0x8e: {  	[smem:$0x3FC6] =	sst s2  }
0x8f: {  	_ = 	snop  }
0x90: {  	s2 =	sld [smem:$0x3FD0];
	(tm) =	ssettm $0x1  }
0x91: {  	s18 =	sld [smem:$0x3FFB];
	_ =	sdelay $0x3  }
0x92: {  	_ =	strace s18  }
0x93: {  	s3 =	sld [smem:$0x3FFC];
	_ =	sdelay $0x3  }
0x94: {  	_ =	strace s3  }
0x95: {  	s3 =	sld [smem:$0x3FFD];
	_ =	sdelay $0x3  }
0x96: {  	_ =	strace s3  }
0x97: {  	_ =	strace $0x8FFFFFFF  }
0x98: {  	s19 =	sld [smem:$0x3FDB];
	_ =	sdelay $0x1  }
0x99: {  	s4 =	simm.s32 $_scs_section_size  }
0x9a: {  	s5 =	simm.s32 $_size__tile_overlayer_lowered;
	s6 =	simm.s32 $_tile_overlayer_lowered  }
0x9b: {  	s22 =	simm.s32 $0x1BFF;
	s21 =	sshll.u32 s6, $0x1;
	s3 =	sadd.s32 s4, s19  }
0x9c: {  	s7 =	simm.s32 $0x0;
	s20 =	sshll.u32 s5, $0x1;
	s5 =	sadd.s32 s21, s3  }
0x9d: {  	[timem:s7], [sflag:s22] =	dma.local [hbm:s5], s20  }
0x9e: {  	_ =	swait.ge [sflag:s22], s20  }
0x9f: {  	s4 =	ssub.s32 $0x0, s20;
	[sflag:s22] =	ssyncset.done $0x0  }
0xa0: {  	[sflag:s22] =	ssyncadd.s32 s4;
	_ =	sdelay $0x1  }
0xa1: {  	s23 =	simm.s32 $0x1B8B  }
0xa2: {  	_ =	swait.ge [sflag:s23], $0x1  }
0xa3: {  	[sflag:s23] =	ssyncset.done $0x0  }
0xa4: {  	s25 =	simm.s32 $0x1B8E;
	s24 =	sld [smem:$0x3FFE];
	[sflag:s23] =	ssyncadd.s32 $0xFFFFFFFF  }
0xa5: {  	s26 =	simm.s32 $execute0_lowered;
	[smem:$0x3FD2] =	sst s25  }
0xa6: {  	s5 =	sshll.u32 s26, $0x1;
	_ =	strace $0x80000046;
	[dreg:$0x1] =	wrdreg $0xFFFFFFFF  }
0xa7: {  	s28 =	simm.s32 $_size_execute0_lowered;
	s3 =	sadd.s32 s3, s5;
	[dreg:$0x0] =	wrdreg $0x0  }
0xa8: {  	s5 =	sshll.u32 s28, $0x1;
	[dreg:$0x2] =	wrdreg s3  }
0xa9: {  	[dreg:$0x3] =	wrdreg s5  }
0xaa: {  	[dreg:$0x4] =	wrdreg $0xC0  }
0xab: {  	_ =	task [dreg:s7], $0x5FFFF  }
0xac: {  	[dreg:$0x1] =	wrdreg $0xFFFFFFFF  }
0xad: {  	[dreg:$0x0] =	wrdreg $0x60  }
0xae: {  	[dreg:$0x2] =	wrdreg s2  }
0xaf: {  	[dreg:$0x3] =	wrdreg s24  }
0xb0: {  	[dreg:$0x4] =	wrdreg $0x9  }
0xb1: {  	_ =	task.clear_ibuf [dreg:s7], $0x5FFFF;
	_ =	strace $0x90000046  }
0xb2: {  	s29 =	simm.s32 $0x9;
	_ =	strace $0x80000048  }
0xb3: {  	_ =	swait.ge [sflag:s29], $0x1  }
0xb4: {  	[sflag:s29] =	ssyncadd.s32 $0xFFFFFFFF  }
0xb5: {  	_ =	strace $0x90000048  }
0xb6: {  	_ =	sfence  }
0xb7: {  	s30 =	sld [smem:$0x0];
	_ =	sdelay $0x2  }
0xb8: {  	s31 =	sshll.u32 s1, $0xD;
	s1 =	sshrl.u32 s1, $0x2  }
0xb9: {  	s3 =	sand.u32 $0x4000, s31;
	s1 =	sadd.s32 s1, s30  }
0xba: {  	s0 =	sor.u32 s3, s0;
	s1 =	sshll.u32 s1, $0x11  }
0xbb: {  	s0 =	sor.u32 s1, s0  }
0xbc: {  	s0 =	sadd.s32 $0x8F2B, s0  }
0xbd: {  	[sflag:s0] =	ssyncadd.remote.s32 $0x1  }
0xbe: {  	_ =	sfence.sel $0xFFFF  }
0xbf: {  	[dreg:$0x0] =	wrdreg $0xFFFFFFFF;
	(pc) =	sbr.abs _section_cstart, $3  }
0xc0: {  	[dreg:$0x1] =	wrdreg $0xFFFFFFFF  }
0xc1: {  	_ =	task.clear_ibuf [dreg:s7], $0x2FFFF;
	_ =	strace $0x9FFFFFFF  }
0xc2: {  	(tm) =	ssettm $0x7FFFFFFF  }
0xc3: {  	_ =	shalt  }
tec
execute0_lowered:
.L_overlay_start_1:
0x0: {  	(tag) =	ssettag $0x1  }
0x1: {  	s0 =	rddreg [dreg:$0x0]  }
0x2: {  	s1 =	rddreg [dreg:$0x1];
	s2 =	simm.s32 $0x0  }
0x3: {  	s3 =	srdreg.scid;
	s5 =	stileid.u32;
	s11 =	simm.s32 $0x7  }
0x4: {  	s12 =	simm.s32 $0x80;
	s13 =	simm.s32 $0x6400;
	s16 =	simm.s32 $0xE400  }
0x5: {  	s17 =	simm.s32 $0x180;
	s18 =	simm.s32 $0x12400;
	s19 =	simm.s32 $0x1  }
0x6: {  	s20 =	simm.s32 $0x16400;
	s21 =	simm.s32 $0x2;
	s22 =	simm.s32 $0x6  }
0x7: {  	s23 =	simm.s32 $0x1A400;
	s4 =	sand.u32 $0x1, s3;
	s29 =	sshll.u32 s5, $0x1  }
0x8: {  	s24 =	simm.s32 $0x3;
	s25 =	simm.s32 $0x5;
	s6 =	sor.u32 s4, s29  }
0x9: {  	s26 =	simm.s32 $0x4;
	s28 =	simm.s32 $0x0;
	s7 =	smul.u32 $0xC80, s6  }
.Ltmp0:
0xa: {  	[smem:$0x7FF] =	sst s2;
	s3 =	sadd.s32 $0xF42E00, s1;
	(pc) =	sbr.rel .LBB2_1-.Ltmp0, $4  }
0xb: {  	_ =	strace $0x80000047;
	s30 =	ssub.s32 $0x2, s4;
	s9 =	smul.u32 $0x6400, s6  }
0xc: {  	s4 =	sadd.s32 $0xA00, s1;
	s31 =	sshrl.u32 s30, $0x1;
	s6 =	smul.u32 $0x320000, s6  }
0xd: {  	s1 =	ssub.s32 s30, s31;
	s5 =	sadd.s32 s0, s7;
	s7 =	sor.u32 $0x80, s9  }
0xe: {  	s8 =	sor.u32 $0x100, s9;
	s9 =	sor.u32 $0x180, s9;
	s10 =	smax.u32 s1, $0x1  }
.LBB2_16:
0xf: {  	s28 =	sadd.s32 $0x1, s28  }
0x10: {  	_ =	swait.ge [sflag:s25], $0x4000;
	p0 =	sne.s32 s28, s10  }
.Ltmp1:
0x11: {  	[sflag:s25] =	ssyncset.done $0x0;
	(pc) =	sbr.rel @!p0 .LBB2_17-.Ltmp1, $4  }
0x12: {  	[sflag:s25] =	ssyncadd.s32 $0xFFFFC000  }
0x13: {  	_ =	swait.ge [sflag:s22], $0x4000  }
0x14: {  	[sflag:s22] =	ssyncset.done $0x0  }
0x15: {  	[sflag:s22] =	ssyncadd.s32 $0xFFFFC000  }
.LBB2_1:
0x16: {  	[tilespmem:s2], [sflag:$0x7] =	stream.linear.gather [hbm4b:s5+s2], $0x6400, $0x38;
	[tilespmem:$0x1E400] =	vst v63  }
0x17: {  	_ =	swait.ge [sflag:s11], $0x6400  }
0x18: {  	[sflag:s11] =	ssyncset.done $0x0  }
0x19: {  	[sflag:s11] =	ssyncadd.s32 $0xFFFF9C00  }
0x1a: {  	[tilespmem:s13], [sflag:$0x1] =	stream.indirect.gather [hbm4b:s3+s12], $0x80, s2, s12, $0xb8;
	[tilespmem:$0x1E400] =	vst v63  }
0x1b: {  	s0 =	simm.s32 $0xA400  }
0x1c: {  	[tilespmem:s0], [sflag:$0x2] =	stream.indirect.gather [hbm4b:s3+s12], $0x80, s12, s12, $0xb8;
	[tilespmem:$0x1E400] =	vst v63  }
0x1d: {  	s31 =	simm.s32 $0x100  }
0x1e: {  	[tilespmem:s16], [sflag:$0x3] =	stream.indirect.gather [hbm4b:s3+s12], $0x80, s31, s12, $0xb8;
	[tilespmem:$0x1E400] =	vst v63  }
0x1f: {  	s29 =	simm.s32 $0x0  }
0x20: {  	[tilespmem:s18], [sflag:$0x4] =	stream.indirect.gather [hbm4b:s3+s12], $0x80, s17, s12, $0xb8;
	[tilespmem:$0x1E400] =	vst v63  }
.LBB2_2:
0x21: {  	_ =	swait.ge [sflag:s19], $0x4000  }
0x22: {  	p0 =	seq.s32 s29, $0x0;
	[sflag:s19] =	ssyncset.done $0x0  }
0x23: {  	s0 =	simm.s32 @!p0 $0x5;
	[sflag:s19] =	ssyncadd.s32 $0xFFFFC000  }
0x24: {  	_ =	swait.ge @!p0 [sflag:s0], $0x4000  }
0x25: {  	[sflag:s0] =	ssyncset.done @!p0 $0x0  }
0x26: {  	[sflag:s0] =	ssyncadd.s32 @!p0 $0xFFFFC000;
	s0 =	simm.s32 $0x0  }
0x27: {  	v0 =	vld [tilespmem:s0+$0x65B0]  }
0x28: {  	v1 =	vld [tilespmem:s0+$0x6400]  }
0x29: {  	v2 =	vld [tilespmem:s0+$0x6410]  }
0x2a: {  	v3 =	vld [tilespmem:s0+$0x6420]  }
0x2b: {  	v6 =	vld [tilespmem:s0+$0x6490]  }
0x2c: {  	v4 =	vld [tilespmem:s0+$0x6430];
	v0 =	vmul.f32 $8.000000000e+00, v0  }
0x2d: {  	v5 =	vld [tilespmem:s0+$0x6480];
	v1 =	vmul.f32 $8.000000000e+00, v1  }
0x2e: {  	v7 =	vld [tilespmem:s0+$0x64A0];
	[tilespmem:s0+$0x165B0] =	vst v0;
	v0 =	vmul.f32 $8.000000000e+00, v2  }
0x2f: {  	v8 =	vld [tilespmem:s0+$0x64B0];
	[tilespmem:s0+$0x16400] =	vst v1;
	v1 =	vmul.f32 $8.000000000e+00, v3  }
0x30: {  	v2 =	vmul.f32 $8.000000000e+00, v6;
	[tilespmem:s0+$0x16410] =	vst v0  }
0x31: {  	v9 =	vld [tilespmem:s0+$0x6500];
	v0 =	vmul.f32 $8.000000000e+00, v4;
	[tilespmem:s0+$0x16420] =	vst v1  }
0x32: {  	v4 =	vld [tilespmem:s0+$0x6510];
	v1 =	vmul.f32 $8.000000000e+00, v5;
	[tilespmem:s0+$0x16490] =	vst v2  }
0x33: {  	v3 =	vmul.f32 $8.000000000e+00, v7;
	[tilespmem:s0+$0x16430] =	vst v0;
	v0 =	vld [tilespmem:s0+$0x6520]  }
0x34: {  	v5 =	vmul.f32 $8.000000000e+00, v8;
	[tilespmem:s0+$0x16480] =	vst v1;
	v1 =	vld [tilespmem:s0+$0x6530]  }
0x35: {  	v2 =	vld [tilespmem:s0+$0x6580];
	[tilespmem:s0+$0x164A0] =	vst v3  }
0x36: {  	v3 =	vld [tilespmem:s0+$0x6590];
	[tilespmem:s0+$0x164B0] =	vst v5;
	v5 =	vmul.f32 $8.000000000e+00, v9  }
0x37: {  	s30 =	sshll.u32 s29, $0xB;
	s1 =	simm.s32 $0x200;
	s14 =	simm.s32 $0x1000;
	v6 =	vmul.f32 $8.000000000e+00, v4;
	v4 =	vld [tilespmem:s0+$0x65A0]  }
.LBB2_3:
0x38: {  	p1 =	sne.s32 s14, $0xF800;
	v7 =	vld [tilespmem:s1+$0x65B0];
	[tilespmem:s0+$0x16500] =	vst v5;
	v0 =	vmul.f32 $8.000000000e+00, v0  }
0x39: {  	v5 =	vld [tilespmem:s1+$0x6400];
	[tilespmem:s0+$0x16510] =	vst v6;
	v1 =	vmul.f32 $8.000000000e+00, v1  }
0x3a: {  	v6 =	vld [tilespmem:s1+$0x6410];
	[tilespmem:s0+$0x16520] =	vst v0;
	v0 =	vmul.f32 $8.000000000e+00, v2  }
0x3b: {  	v2 =	vld [tilespmem:s1+$0x6420];
	[tilespmem:s0+$0x16530] =	vst v1;
	v1 =	vmul.f32 $8.000000000e+00, v3  }
0x3c: {  	v3 =	vld [tilespmem:s1+$0x6430];
	[tilespmem:s0+$0x16580] =	vst v0;
	v0 =	vmul.f32 $8.000000000e+00, v4  }
0x3d: {  	v4 =	vld [tilespmem:s1+$0x6480];
	v7 =	vmul.f32 $8.000000000e+00, v7;
	[tilespmem:s0+$0x16590] =	vst v1  }
0x3e: {  	v1 =	vmul.f32 $8.000000000e+00, v5;
	v5 =	vld [tilespmem:s1+$0x6490];
	[tilespmem:s0+$0x165A0] =	vst v0;
	s0 =	smov.u32 s1  }
0x3f: {  	v0 =	vmul.f32 $8.000000000e+00, v6;
	v6 =	vld [tilespmem:s0+$0x64A0];
	[tilespmem:s0+$0x165B0] =	vst v7  }
0x40: {  	[tilespmem:s0+$0x16400] =	vst v1;
	v1 =	vmul.f32 $8.000000000e+00, v2;
	v2 =	vld [tilespmem:s0+$0x64B0]  }
0x41: {  	[tilespmem:s0+$0x16410] =	vst v0;
	v0 =	vmul.f32 $8.000000000e+00, v3;
	v3 =	vld [tilespmem:s0+$0x6500]  }
0x42: {  	[tilespmem:s0+$0x16420] =	vst v1;
	v1 =	vmul.f32 $8.000000000e+00, v4;
	v4 =	vld [tilespmem:s0+$0x6510]  }
.Ltmp2:
0x43: {  	[tilespmem:s0+$0x16430] =	vst v0;
	v5 =	vmul.f32 $8.000000000e+00, v5;
	v0 =	vld [tilespmem:s0+$0x6520];
	(pc) =	sbr.rel @p1 .LBB2_3-.Ltmp2, $4  }
0x44: {  	[tilespmem:s0+$0x16480] =	vst v1;
	v6 =	vmul.f32 $8.000000000e+00, v6;
	v1 =	vld [tilespmem:s0+$0x6530]  }
0x45: {  	[tilespmem:s0+$0x16490] =	vst v5;
	v7 =	vmul.f32 $8.000000000e+00, v2;
	v2 =	vld [tilespmem:s0+$0x6580]  }
0x46: {  	[tilespmem:s0+$0x164A0] =	vst v6;
	v5 =	vmul.f32 $8.000000000e+00, v3;
	v3 =	vld [tilespmem:s0+$0x6590]  }
0x47: {  	s1 =	sshra.s32 s14, $0x2;
	s14 =	sadd.s32 $0x800, s14;
	[tilespmem:s0+$0x164B0] =	vst v7;
	v6 =	vmul.f32 $8.000000000e+00, v4;
	v4 =	vld [tilespmem:s0+$0x65A0]  }
0x48: {  	v7 =	vld [tilespmem:s1+$0x65B0];
	[tilespmem:s0+$0x16500] =	vst v5;
	v0 =	vmul.f32 $8.000000000e+00, v0  }
0x49: {  	v5 =	vld [tilespmem:s1+$0x6400];
	[tilespmem:s0+$0x16510] =	vst v6;
	v1 =	vmul.f32 $8.000000000e+00, v1  }
0x4a: {  	v6 =	vld [tilespmem:s1+$0x6410];
	[tilespmem:s0+$0x16520] =	vst v0;
	v2 =	vmul.f32 $8.000000000e+00, v2  }
0x4b: {  	v0 =	vld [tilespmem:s1+$0x6420];
	[tilespmem:s0+$0x16530] =	vst v1;
	v3 =	vmul.f32 $8.000000000e+00, v3  }
0x4c: {  	v1 =	vld [tilespmem:s1+$0x6430];
	[tilespmem:s0+$0x16580] =	vst v2;
	v4 =	vmul.f32 $8.000000000e+00, v4  }
0x4d: {  	v2 =	vld [tilespmem:s1+$0x6480];
	[tilespmem:s0+$0x16590] =	vst v3;
	v7 =	vmul.f32 $8.000000000e+00, v7  }
0x4e: {  	v3 =	vld [tilespmem:s1+$0x6490];
	[tilespmem:s0+$0x165A0] =	vst v4;
	v50 =	vmul.f32 $8.000000000e+00, v5  }
0x4f: {  	v51 =	vld [tilespmem:s1+$0x64A0];
	[tilespmem:s1+$0x165B0] =	vst v7;
	v6 =	vmul.f32 $8.000000000e+00, v6  }
0x50: {  	v52 =	vld [tilespmem:s1+$0x64B0];
	[tilespmem:s1+$0x16400] =	vst v50;
	v0 =	vmul.f32 $8.000000000e+00, v0  }
0x51: {  	v53 =	vld [tilespmem:s1+$0x6500];
	[tilespmem:s1+$0x16410] =	vst v6;
	v1 =	vmul.f32 $8.000000000e+00, v1  }
0x52: {  	v54 =	vld [tilespmem:s1+$0x6510];
	[tilespmem:s1+$0x16420] =	vst v0;
	v2 =	vmul.f32 $8.000000000e+00, v2  }
0x53: {  	v55 =	vld [tilespmem:s1+$0x6520];
	[tilespmem:s1+$0x16430] =	vst v1;
	v3 =	vmul.f32 $8.000000000e+00, v3  }
0x54: {  	v56 =	vld [tilespmem:s1+$0x6530];
	[tilespmem:s1+$0x16480] =	vst v2;
	v5 =	vmul.f32 $8.000000000e+00, v51  }
0x55: {  	v57 =	vld [tilespmem:s1+$0x6580];
	v4 =	vmul.f32 $8.000000000e+00, v52;
	[tilespmem:s1+$0x16490] =	vst v3  }
0x56: {  	v58 =	vld [tilespmem:s1+$0x6590];
	v6 =	vmul.f32 $8.000000000e+00, v53;
	[tilespmem:s1+$0x164A0] =	vst v5  }
0x57: {  	v59 =	vld [tilespmem:s1+$0x65A0];
	v0 =	vmul.f32 $8.000000000e+00, v54;
	[tilespmem:s1+$0x164B0] =	vst v4  }
0x58: {  	v1 =	vmul.f32 $8.000000000e+00, v55;
	[tilespmem:s1+$0x16500] =	vst v6  }
0x59: {  	v60 =	vmul.f32 $8.000000000e+00, v56;
	[tilespmem:s1+$0x16510] =	vst v0  }
0x5a: {  	p1 =	sne.s32 s29, $0x31;
	v61 =	vmul.f32 $8.000000000e+00, v57;
	[tilespmem:s1+$0x16520] =	vst v1  }
.Ltmp3:
0x5b: {  	s31 =	sshll.u32 s29, $0x10;
	v62 =	vmul.f32 $8.000000000e+00, v58;
	[tilespmem:s1+$0x16530] =	vst v60;
	(pc) =	sbr.rel @p1 .LBB2_6-.Ltmp3, $4  }
0x5c: {  	s0 =	sadd.s32 s6, s31;
	v63 =	vmul.f32 $8.000000000e+00, v59;
	[tilespmem:s1+$0x16580] =	vst v61  }
0x5d: {  	s0 =	sshrl.u32 s0, $0x3;
	[tilespmem:s1+$0x16590] =	vst v62  }
0x5e: {  	s0 =	sadd.s32 s4, s0;
	[tilespmem:s1+$0x165A0] =	vst v63  }
0x5f: {  	[hbm4b:s0+s2] =	stream.linear.scatter [tilespmem:s20], [sflag:$0x5], $0x4000, $0x38;
	[tilespmem:$0x1E400] =	vst v63  }
.Ltmp4:
0x60: {  	(pc) =	sbr.rel .LBB2_7-.Ltmp4, $4  }
0x61: {  	_ = 	snop  }
0x62: {  	_ =	swait.ge [sflag:s21], $0x4000  }
0x63: {  	[sflag:s21] =	ssyncset.done $0x0  }
0x64: {  	[sflag:s21] =	ssyncadd.s32 $0xFFFFC000  }
.LBB2_6:
0x65: {  	s0 =	sshrl.u32 s30, $0x2  }
.Ltmp5:
0x66: {  	s0 =	sadd.s32 $0x200, s0;
	(pc) =	sbr.rel @p0 .LBB2_8-.Ltmp5, $4  }
0x67: {  	[tilespmem:s13], [sflag:$0x1] =	stream.indirect.gather [hbm4b:s3+s12], $0x80, s0, s12, $0xb8;
	[tilespmem:$0x1E400] =	vst v63  }
0x68: {  	_ =	swait.ge [sflag:s21], $0x4000  }
0x69: {  	[sflag:s21] =	ssyncset.done $0x0  }
0x6a: {  	[sflag:s21] =	ssyncadd.s32 $0xFFFFC000  }
.LBB2_7:
0x6b: {  	_ =	swait.ge [sflag:s22], $0x4000  }
0x6c: {  	[sflag:s22] =	ssyncset.done $0x0  }
0x6d: {  	[sflag:s22] =	ssyncadd.s32 $0xFFFFC000  }
.LBB2_8:
0x6e: {  	s0 =	simm.s32 $0x0  }
0x6f: {  	v0 =	vld [tilespmem:s0+$0xA5B0]  }
0x70: {  	v1 =	vld [tilespmem:s0+$0xA400]  }
0x71: {  	v2 =	vld [tilespmem:s0+$0xA410]  }
0x72: {  	v3 =	vld [tilespmem:s0+$0xA420]  }
0x73: {  	v6 =	vld [tilespmem:s0+$0xA490]  }
0x74: {  	v4 =	vld [tilespmem:s0+$0xA430];
	v0 =	vmul.f32 $8.000000000e+00, v0  }
0x75: {  	v5 =	vld [tilespmem:s0+$0xA480];
	v1 =	vmul.f32 $8.000000000e+00, v1  }
0x76: {  	v7 =	vld [tilespmem:s0+$0xA4A0];
	[tilespmem:s0+$0x1A5B0] =	vst v0;
	v0 =	vmul.f32 $8.000000000e+00, v2  }
0x77: {  	v8 =	vld [tilespmem:s0+$0xA4B0];
	[tilespmem:s0+$0x1A400] =	vst v1;
	v1 =	vmul.f32 $8.000000000e+00, v3  }
0x78: {  	v2 =	vmul.f32 $8.000000000e+00, v6;
	[tilespmem:s0+$0x1A410] =	vst v0  }
0x79: {  	v9 =	vld [tilespmem:s0+$0xA500];
	v0 =	vmul.f32 $8.000000000e+00, v4;
	[tilespmem:s0+$0x1A420] =	vst v1  }
0x7a: {  	v4 =	vld [tilespmem:s0+$0xA510];
	v1 =	vmul.f32 $8.000000000e+00, v5;
	[tilespmem:s0+$0x1A490] =	vst v2  }
0x7b: {  	v3 =	vmul.f32 $8.000000000e+00, v7;
	[tilespmem:s0+$0x1A430] =	vst v0;
	v0 =	vld [tilespmem:s0+$0xA520]  }
0x7c: {  	v5 =	vmul.f32 $8.000000000e+00, v8;
	[tilespmem:s0+$0x1A480] =	vst v1;
	v1 =	vld [tilespmem:s0+$0xA530]  }
0x7d: {  	v2 =	vld [tilespmem:s0+$0xA580];
	[tilespmem:s0+$0x1A4A0] =	vst v3  }
0x7e: {  	v3 =	vld [tilespmem:s0+$0xA590];
	[tilespmem:s0+$0x1A4B0] =	vst v5;
	v5 =	vmul.f32 $8.000000000e+00, v9  }
0x7f: {  	s1 =	simm.s32 $0x200;
	s14 =	simm.s32 $0x1000;
	v6 =	vmul.f32 $8.000000000e+00, v4;
	v4 =	vld [tilespmem:s0+$0xA5A0]  }
.LBB2_9:
0x80: {  	p0 =	sne.s32 s14, $0xF800;
	v7 =	vld [tilespmem:s1+$0xA5B0];
	[tilespmem:s0+$0x1A500] =	vst v5;
	v0 =	vmul.f32 $8.000000000e+00, v0  }
0x81: {  	v5 =	vld [tilespmem:s1+$0xA400];
	[tilespmem:s0+$0x1A510] =	vst v6;
	v1 =	vmul.f32 $8.000000000e+00, v1  }
0x82: {  	v6 =	vld [tilespmem:s1+$0xA410];
	[tilespmem:s0+$0x1A520] =	vst v0;
	v0 =	vmul.f32 $8.000000000e+00, v2  }
0x83: {  	v2 =	vld [tilespmem:s1+$0xA420];
	[tilespmem:s0+$0x1A530] =	vst v1;
	v1 =	vmul.f32 $8.000000000e+00, v3  }
0x84: {  	v3 =	vld [tilespmem:s1+$0xA430];
	[tilespmem:s0+$0x1A580] =	vst v0;
	v0 =	vmul.f32 $8.000000000e+00, v4  }
0x85: {  	v4 =	vld [tilespmem:s1+$0xA480];
	v7 =	vmul.f32 $8.000000000e+00, v7;
	[tilespmem:s0+$0x1A590] =	vst v1  }
0x86: {  	v1 =	vmul.f32 $8.000000000e+00, v5;
	v5 =	vld [tilespmem:s1+$0xA490];
	[tilespmem:s0+$0x1A5A0] =	vst v0;
	s0 =	smov.u32 s1  }
0x87: {  	v0 =	vmul.f32 $8.000000000e+00, v6;
	v6 =	vld [tilespmem:s0+$0xA4A0];
	[tilespmem:s0+$0x1A5B0] =	vst v7  }
0x88: {  	[tilespmem:s0+$0x1A400] =	vst v1;
	v1 =	vmul.f32 $8.000000000e+00, v2;
	v2 =	vld [tilespmem:s0+$0xA4B0]  }
0x89: {  	[tilespmem:s0+$0x1A410] =	vst v0;
	v0 =	vmul.f32 $8.000000000e+00, v3;
	v3 =	vld [tilespmem:s0+$0xA500]  }
0x8a: {  	[tilespmem:s0+$0x1A420] =	vst v1;
	v1 =	vmul.f32 $8.000000000e+00, v4;
	v4 =	vld [tilespmem:s0+$0xA510]  }
.Ltmp6:
0x8b: {  	[tilespmem:s0+$0x1A430] =	vst v0;
	v5 =	vmul.f32 $8.000000000e+00, v5;
	v0 =	vld [tilespmem:s0+$0xA520];
	(pc) =	sbr.rel @p0 .LBB2_9-.Ltmp6, $4  }
0x8c: {  	[tilespmem:s0+$0x1A480] =	vst v1;
	v6 =	vmul.f32 $8.000000000e+00, v6;
	v1 =	vld [tilespmem:s0+$0xA530]  }
0x8d: {  	[tilespmem:s0+$0x1A490] =	vst v5;
	v7 =	vmul.f32 $8.000000000e+00, v2;
	v2 =	vld [tilespmem:s0+$0xA580]  }
0x8e: {  	[tilespmem:s0+$0x1A4A0] =	vst v6;
	v5 =	vmul.f32 $8.000000000e+00, v3;
	v3 =	vld [tilespmem:s0+$0xA590]  }
0x8f: {  	s1 =	sshra.s32 s14, $0x2;
	s14 =	sadd.s32 $0x800, s14;
	[tilespmem:s0+$0x1A4B0] =	vst v7;
	v6 =	vmul.f32 $8.000000000e+00, v4;
	v4 =	vld [tilespmem:s0+$0xA5A0]  }
0x90: {  	v7 =	vld [tilespmem:s1+$0xA5B0];
	[tilespmem:s0+$0x1A500] =	vst v5;
	v0 =	vmul.f32 $8.000000000e+00, v0  }
0x91: {  	v5 =	vld [tilespmem:s1+$0xA400];
	[tilespmem:s0+$0x1A510] =	vst v6;
	v1 =	vmul.f32 $8.000000000e+00, v1  }
0x92: {  	v6 =	vld [tilespmem:s1+$0xA410];
	[tilespmem:s0+$0x1A520] =	vst v0;
	v2 =	vmul.f32 $8.000000000e+00, v2  }
0x93: {  	v0 =	vld [tilespmem:s1+$0xA420];
	[tilespmem:s0+$0x1A530] =	vst v1;
	v3 =	vmul.f32 $8.000000000e+00, v3  }
0x94: {  	v1 =	vld [tilespmem:s1+$0xA430];
	[tilespmem:s0+$0x1A580] =	vst v2;
	v4 =	vmul.f32 $8.000000000e+00, v4  }
0x95: {  	v2 =	vld [tilespmem:s1+$0xA480];
	[tilespmem:s0+$0x1A590] =	vst v3;
	v7 =	vmul.f32 $8.000000000e+00, v7  }
0x96: {  	v3 =	vld [tilespmem:s1+$0xA490];
	[tilespmem:s0+$0x1A5A0] =	vst v4;
	v4 =	vmul.f32 $8.000000000e+00, v5  }
0x97: {  	v5 =	vld [tilespmem:s1+$0xA4A0];
	[tilespmem:s1+$0x1A5B0] =	vst v7;
	v6 =	vmul.f32 $8.000000000e+00, v6  }
0x98: {  	[tilespmem:s1+$0x1A400] =	vst v4;
	v4 =	vld [tilespmem:s1+$0xA4B0];
	v0 =	vmul.f32 $8.000000000e+00, v0  }
0x99: {  	[tilespmem:s1+$0x1A410] =	vst v6;
	v6 =	vld [tilespmem:s1+$0xA500];
	v1 =	vmul.f32 $8.000000000e+00, v1  }
0x9a: {  	[tilespmem:s1+$0x1A420] =	vst v0;
	v0 =	vld [tilespmem:s1+$0xA510];
	v2 =	vmul.f32 $8.000000000e+00, v2  }
0x9b: {  	[tilespmem:s1+$0x1A430] =	vst v1;
	v1 =	vld [tilespmem:s1+$0xA520];
	v3 =	vmul.f32 $8.000000000e+00, v3  }
0x9c: {  	[tilespmem:s1+$0x1A480] =	vst v2;
	v2 =	vld [tilespmem:s1+$0xA530];
	v5 =	vmul.f32 $8.000000000e+00, v5  }
0x9d: {  	[tilespmem:s1+$0x1A490] =	vst v3;
	v3 =	vld [tilespmem:s1+$0xA580];
	v4 =	vmul.f32 $8.000000000e+00, v4  }
0x9e: {  	[tilespmem:s1+$0x1A4A0] =	vst v5;
	v5 =	vld [tilespmem:s1+$0xA590];
	v6 =	vmul.f32 $8.000000000e+00, v6  }
0x9f: {  	[tilespmem:s1+$0x1A4B0] =	vst v4;
	v0 =	vmul.f32 $8.000000000e+00, v0;
	v4 =	vld [tilespmem:s1+$0xA5A0]  }
0xa0: {  	[tilespmem:s1+$0x1A500] =	vst v6;
	v1 =	vmul.f32 $8.000000000e+00, v1  }
0xa1: {  	[tilespmem:s1+$0x1A510] =	vst v0;
	v0 =	vmul.f32 $8.000000000e+00, v2  }
0xa2: {  	[tilespmem:s1+$0x1A520] =	vst v1;
	v1 =	vmul.f32 $8.000000000e+00, v3  }
0xa3: {  	s31 =	sshll.u32 s29, $0x9;
	[tilespmem:s1+$0x1A530] =	vst v0;
	v0 =	vmul.f32 $8.000000000e+00, v5  }
0xa4: {  	s15 =	sadd.s32 s31, s7;
	[tilespmem:s1+$0x1A580] =	vst v1;
	v1 =	vmul.f32 $8.000000000e+00, v4  }
0xa5: {  	s0 =	sshll.u32 s15, $0x4;
	[tilespmem:s1+$0x1A590] =	vst v0  }
0xa6: {  	p0 =	seq.s32 s29, $0x31;
	s0 =	sadd.s32 s4, s0;
	[tilespmem:s1+$0x1A5A0] =	vst v1  }
0xa7: {  	[hbm4b:s0+s2] =	stream.linear.scatter [tilespmem:s23], [sflag:$0x6], $0x4000, $0x38;
	[tilespmem:$0x1E400] =	vst v63  }
0xa8: {  	s0 =	sshrl.u32 @!p0 s30, $0x2  }
0xa9: {  	s14 =	simm.s32 @!p0 $0x80;
	s15 =	simm.s32 @!p0 $0xA400;
	s1 =	sadd.s32 @!p0 $0x280, s0  }
0xaa: {  	[tilespmem:s15], [sflag:$0x2] =	stream.indirect.gather @!p0 [hbm4b:s3+s14], $0x80, s1, s14, $0xb8;
	[tilespmem:$0x1E400] =	vst v63  }
0xab: {  	_ =	swait.ge [sflag:s24], $0x4000  }
0xac: {  	[sflag:s24] =	ssyncset.done $0x0  }
0xad: {  	[sflag:s24] =	ssyncadd.s32 $0xFFFFC000  }
0xae: {  	_ =	swait.ge [sflag:s25], $0x4000  }
0xaf: {  	[sflag:s25] =	ssyncset.done $0x0  }
0xb0: {  	s1 =	simm.s32 $0x0;
	[sflag:s25] =	ssyncadd.s32 $0xFFFFC000  }
0xb1: {  	v0 =	vld [tilespmem:s1+$0xE5B0]  }
0xb2: {  	v1 =	vld [tilespmem:s1+$0xE400]  }
0xb3: {  	v2 =	vld [tilespmem:s1+$0xE410]  }
0xb4: {  	v3 =	vld [tilespmem:s1+$0xE420]  }
0xb5: {  	v6 =	vld [tilespmem:s1+$0xE490]  }
0xb6: {  	v4 =	vld [tilespmem:s1+$0xE430];
	v0 =	vmul.f32 $8.000000000e+00, v0  }
0xb7: {  	v5 =	vld [tilespmem:s1+$0xE480];
	v1 =	vmul.f32 $8.000000000e+00, v1  }
0xb8: {  	v7 =	vld [tilespmem:s1+$0xE4A0];
	[tilespmem:s1+$0x165B0] =	vst v0;
	v0 =	vmul.f32 $8.000000000e+00, v2  }
0xb9: {  	v8 =	vld [tilespmem:s1+$0xE4B0];
	[tilespmem:s1+$0x16400] =	vst v1;
	v1 =	vmul.f32 $8.000000000e+00, v3  }
0xba: {  	v2 =	vmul.f32 $8.000000000e+00, v6;
	[tilespmem:s1+$0x16410] =	vst v0  }
0xbb: {  	v9 =	vld [tilespmem:s1+$0xE500];
	v0 =	vmul.f32 $8.000000000e+00, v4;
	[tilespmem:s1+$0x16420] =	vst v1  }
0xbc: {  	v4 =	vld [tilespmem:s1+$0xE510];
	v1 =	vmul.f32 $8.000000000e+00, v5;
	[tilespmem:s1+$0x16490] =	vst v2  }
0xbd: {  	v3 =	vmul.f32 $8.000000000e+00, v7;
	[tilespmem:s1+$0x16430] =	vst v0;
	v0 =	vld [tilespmem:s1+$0xE520]  }
0xbe: {  	v5 =	vmul.f32 $8.000000000e+00, v8;
	[tilespmem:s1+$0x16480] =	vst v1;
	v1 =	vld [tilespmem:s1+$0xE530]  }
0xbf: {  	v2 =	vld [tilespmem:s1+$0xE580];
	[tilespmem:s1+$0x164A0] =	vst v3  }
0xc0: {  	v3 =	vld [tilespmem:s1+$0xE590];
	[tilespmem:s1+$0x164B0] =	vst v5;
	v5 =	vmul.f32 $8.000000000e+00, v9  }
0xc1: {  	s14 =	simm.s32 $0x200;
	s15 =	simm.s32 $0x1000;
	v6 =	vmul.f32 $8.000000000e+00, v4;
	v4 =	vld [tilespmem:s1+$0xE5A0]  }
.LBB2_11:
0xc2: {  	p1 =	sne.s32 s15, $0xF800;
	v7 =	vld [tilespmem:s14+$0xE5B0];
	[tilespmem:s1+$0x16500] =	vst v5;
	v0 =	vmul.f32 $8.000000000e+00, v0  }
0xc3: {  	v5 =	vld [tilespmem:s14+$0xE400];
	[tilespmem:s1+$0x16510] =	vst v6;
	v1 =	vmul.f32 $8.000000000e+00, v1  }
0xc4: {  	v6 =	vld [tilespmem:s14+$0xE410];
	[tilespmem:s1+$0x16520] =	vst v0;
	v0 =	vmul.f32 $8.000000000e+00, v2  }
0xc5: {  	v2 =	vld [tilespmem:s14+$0xE420];
	[tilespmem:s1+$0x16530] =	vst v1;
	v1 =	vmul.f32 $8.000000000e+00, v3  }
0xc6: {  	v3 =	vld [tilespmem:s14+$0xE430];
	[tilespmem:s1+$0x16580] =	vst v0;
	v0 =	vmul.f32 $8.000000000e+00, v4  }
0xc7: {  	v4 =	vld [tilespmem:s14+$0xE480];
	v7 =	vmul.f32 $8.000000000e+00, v7;
	[tilespmem:s1+$0x16590] =	vst v1  }
0xc8: {  	v1 =	vmul.f32 $8.000000000e+00, v5;
	v5 =	vld [tilespmem:s14+$0xE490];
	[tilespmem:s1+$0x165A0] =	vst v0;
	s1 =	smov.u32 s14  }
0xc9: {  	v0 =	vmul.f32 $8.000000000e+00, v6;
	v6 =	vld [tilespmem:s1+$0xE4A0];
	[tilespmem:s1+$0x165B0] =	vst v7  }
0xca: {  	[tilespmem:s1+$0x16400] =	vst v1;
	v1 =	vmul.f32 $8.000000000e+00, v2;
	v2 =	vld [tilespmem:s1+$0xE4B0]  }
0xcb: {  	[tilespmem:s1+$0x16410] =	vst v0;
	v0 =	vmul.f32 $8.000000000e+00, v3;
	v3 =	vld [tilespmem:s1+$0xE500]  }
0xcc: {  	[tilespmem:s1+$0x16420] =	vst v1;
	v1 =	vmul.f32 $8.000000000e+00, v4;
	v4 =	vld [tilespmem:s1+$0xE510]  }
.Ltmp7:
0xcd: {  	[tilespmem:s1+$0x16430] =	vst v0;
	v5 =	vmul.f32 $8.000000000e+00, v5;
	v0 =	vld [tilespmem:s1+$0xE520];
	(pc) =	sbr.rel @p1 .LBB2_11-.Ltmp7, $4  }
0xce: {  	[tilespmem:s1+$0x16480] =	vst v1;
	v6 =	vmul.f32 $8.000000000e+00, v6;
	v1 =	vld [tilespmem:s1+$0xE530]  }
0xcf: {  	[tilespmem:s1+$0x16490] =	vst v5;
	v7 =	vmul.f32 $8.000000000e+00, v2;
	v2 =	vld [tilespmem:s1+$0xE580]  }
0xd0: {  	[tilespmem:s1+$0x164A0] =	vst v6;
	v5 =	vmul.f32 $8.000000000e+00, v3;
	v3 =	vld [tilespmem:s1+$0xE590]  }
0xd1: {  	s14 =	sshra.s32 s15, $0x2;
	s15 =	sadd.s32 $0x800, s15;
	[tilespmem:s1+$0x164B0] =	vst v7;
	v6 =	vmul.f32 $8.000000000e+00, v4;
	v4 =	vld [tilespmem:s1+$0xE5A0]  }
0xd2: {  	v7 =	vld [tilespmem:s14+$0xE5B0];
	[tilespmem:s1+$0x16500] =	vst v5;
	v0 =	vmul.f32 $8.000000000e+00, v0  }
0xd3: {  	v5 =	vld [tilespmem:s14+$0xE400];
	[tilespmem:s1+$0x16510] =	vst v6;
	v1 =	vmul.f32 $8.000000000e+00, v1  }
0xd4: {  	v6 =	vld [tilespmem:s14+$0xE410];
	[tilespmem:s1+$0x16520] =	vst v0;
	v2 =	vmul.f32 $8.000000000e+00, v2  }
0xd5: {  	v0 =	vld [tilespmem:s14+$0xE420];
	[tilespmem:s1+$0x16530] =	vst v1;
	v3 =	vmul.f32 $8.000000000e+00, v3  }
0xd6: {  	v1 =	vld [tilespmem:s14+$0xE430];
	[tilespmem:s1+$0x16580] =	vst v2;
	v4 =	vmul.f32 $8.000000000e+00, v4  }
0xd7: {  	v2 =	vld [tilespmem:s14+$0xE480];
	[tilespmem:s1+$0x16590] =	vst v3;
	v7 =	vmul.f32 $8.000000000e+00, v7  }
0xd8: {  	v3 =	vld [tilespmem:s14+$0xE490];
	[tilespmem:s1+$0x165A0] =	vst v4;
	v4 =	vmul.f32 $8.000000000e+00, v5  }
0xd9: {  	v5 =	vld [tilespmem:s14+$0xE4A0];
	[tilespmem:s14+$0x165B0] =	vst v7;
	v6 =	vmul.f32 $8.000000000e+00, v6  }
0xda: {  	[tilespmem:s14+$0x16400] =	vst v4;
	v4 =	vld [tilespmem:s14+$0xE4B0];
	v0 =	vmul.f32 $8.000000000e+00, v0  }
0xdb: {  	[tilespmem:s14+$0x16410] =	vst v6;
	v6 =	vld [tilespmem:s14+$0xE500];
	v1 =	vmul.f32 $8.000000000e+00, v1  }
0xdc: {  	[tilespmem:s14+$0x16420] =	vst v0;
	v0 =	vld [tilespmem:s14+$0xE510];
	v2 =	vmul.f32 $8.000000000e+00, v2  }
0xdd: {  	[tilespmem:s14+$0x16430] =	vst v1;
	v1 =	vld [tilespmem:s14+$0xE520];
	v3 =	vmul.f32 $8.000000000e+00, v3  }
0xde: {  	[tilespmem:s14+$0x16480] =	vst v2;
	v2 =	vld [tilespmem:s14+$0xE530];
	v5 =	vmul.f32 $8.000000000e+00, v5  }
0xdf: {  	[tilespmem:s14+$0x16490] =	vst v3;
	v3 =	vld [tilespmem:s14+$0xE580];
	v4 =	vmul.f32 $8.000000000e+00, v4  }
0xe0: {  	[tilespmem:s14+$0x164A0] =	vst v5;
	v5 =	vld [tilespmem:s14+$0xE590];
	v6 =	vmul.f32 $8.000000000e+00, v6  }
0xe1: {  	[tilespmem:s14+$0x164B0] =	vst v4;
	v0 =	vmul.f32 $8.000000000e+00, v0;
	v4 =	vld [tilespmem:s14+$0xE5A0]  }
0xe2: {  	[tilespmem:s14+$0x16500] =	vst v6;
	v1 =	vmul.f32 $8.000000000e+00, v1  }
0xe3: {  	[tilespmem:s14+$0x16510] =	vst v0;
	v0 =	vmul.f32 $8.000000000e+00, v2  }
0xe4: {  	[tilespmem:s14+$0x16520] =	vst v1;
	v1 =	vmul.f32 $8.000000000e+00, v3  }
0xe5: {  	[tilespmem:s14+$0x16530] =	vst v0;
	v0 =	vmul.f32 $8.000000000e+00, v5  }
0xe6: {  	s15 =	sadd.s32 s31, s8;
	[tilespmem:s14+$0x16580] =	vst v1;
	v1 =	vmul.f32 $8.000000000e+00, v4  }
0xe7: {  	s1 =	sshll.u32 s15, $0x4;
	[tilespmem:s14+$0x16590] =	vst v0  }
0xe8: {  	s1 =	sadd.s32 s4, s1;
	[tilespmem:s14+$0x165A0] =	vst v1  }
0xe9: {  	[hbm4b:s1+s2] =	stream.linear.scatter [tilespmem:s20], [sflag:$0x5], $0x4000, $0x38;
	[tilespmem:$0x1E400] =	vst v63  }
0xea: {  	s0 =	sadd.s32 @!p0 $0x300, s0;
	s14 =	simm.s32 @!p0 $0xE400;
	s1 =	simm.s32 @!p0 $0x80  }
0xeb: {  	[tilespmem:s14], [sflag:$0x3] =	stream.indirect.gather @!p0 [hbm4b:s3+s1], $0x80, s0, s1, $0xb8;
	[tilespmem:$0x1E400] =	vst v63  }
0xec: {  	_ =	swait.ge [sflag:s26], $0x4000  }
0xed: {  	[sflag:s26] =	ssyncset.done $0x0  }
0xee: {  	[sflag:s26] =	ssyncadd.s32 $0xFFFFC000  }
0xef: {  	_ =	swait.ge [sflag:s22], $0x4000  }
0xf0: {  	[sflag:s22] =	ssyncset.done $0x0  }
0xf1: {  	s0 =	simm.s32 $0x0;
	[sflag:s22] =	ssyncadd.s32 $0xFFFFC000  }
0xf2: {  	v0 =	vld [tilespmem:s0+$0x125B0]  }
0xf3: {  	v1 =	vld [tilespmem:s0+$0x12400]  }
0xf4: {  	v2 =	vld [tilespmem:s0+$0x12410]  }
0xf5: {  	v3 =	vld [tilespmem:s0+$0x12420]  }
0xf6: {  	v6 =	vld [tilespmem:s0+$0x12490]  }
0xf7: {  	v4 =	vld [tilespmem:s0+$0x12430];
	v0 =	vmul.f32 $8.000000000e+00, v0  }
0xf8: {  	v5 =	vld [tilespmem:s0+$0x12480];
	v1 =	vmul.f32 $8.000000000e+00, v1  }
0xf9: {  	v7 =	vld [tilespmem:s0+$0x124A0];
	[tilespmem:s0+$0x1A5B0] =	vst v0;
	v0 =	vmul.f32 $8.000000000e+00, v2  }
0xfa: {  	v8 =	vld [tilespmem:s0+$0x124B0];
	[tilespmem:s0+$0x1A400] =	vst v1;
	v1 =	vmul.f32 $8.000000000e+00, v3  }
0xfb: {  	v2 =	vmul.f32 $8.000000000e+00, v6;
	[tilespmem:s0+$0x1A410] =	vst v0  }
0xfc: {  	v9 =	vld [tilespmem:s0+$0x12500];
	v0 =	vmul.f32 $8.000000000e+00, v4;
	[tilespmem:s0+$0x1A420] =	vst v1  }
0xfd: {  	v4 =	vld [tilespmem:s0+$0x12510];
	v1 =	vmul.f32 $8.000000000e+00, v5;
	[tilespmem:s0+$0x1A490] =	vst v2  }
0xfe: {  	v3 =	vmul.f32 $8.000000000e+00, v7;
	[tilespmem:s0+$0x1A430] =	vst v0;
	v0 =	vld [tilespmem:s0+$0x12520]  }
0xff: {  	v5 =	vmul.f32 $8.000000000e+00, v8;
	[tilespmem:s0+$0x1A480] =	vst v1;
	v1 =	vld [tilespmem:s0+$0x12530]  }
0x100: {  	v2 =	vld [tilespmem:s0+$0x12580];
	[tilespmem:s0+$0x1A4A0] =	vst v3  }
0x101: {  	v3 =	vld [tilespmem:s0+$0x12590];
	[tilespmem:s0+$0x1A4B0] =	vst v5;
	v5 =	vmul.f32 $8.000000000e+00, v9  }
0x102: {  	s1 =	simm.s32 $0x200;
	s14 =	simm.s32 $0x1000;
	v6 =	vmul.f32 $8.000000000e+00, v4;
	v4 =	vld [tilespmem:s0+$0x125A0]  }
.LBB2_13:
0x103: {  	p1 =	sne.s32 s14, $0xF800;
	v7 =	vld [tilespmem:s1+$0x125B0];
	[tilespmem:s0+$0x1A500] =	vst v5;
	v0 =	vmul.f32 $8.000000000e+00, v0  }
0x104: {  	v5 =	vld [tilespmem:s1+$0x12400];
	[tilespmem:s0+$0x1A510] =	vst v6;
	v1 =	vmul.f32 $8.000000000e+00, v1  }
0x105: {  	v6 =	vld [tilespmem:s1+$0x12410];
	[tilespmem:s0+$0x1A520] =	vst v0;
	v0 =	vmul.f32 $8.000000000e+00, v2  }
0x106: {  	v2 =	vld [tilespmem:s1+$0x12420];
	[tilespmem:s0+$0x1A530] =	vst v1;
	v1 =	vmul.f32 $8.000000000e+00, v3  }
0x107: {  	v3 =	vld [tilespmem:s1+$0x12430];
	[tilespmem:s0+$0x1A580] =	vst v0;
	v0 =	vmul.f32 $8.000000000e+00, v4  }
0x108: {  	v4 =	vld [tilespmem:s1+$0x12480];
	v7 =	vmul.f32 $8.000000000e+00, v7;
	[tilespmem:s0+$0x1A590] =	vst v1  }
0x109: {  	v1 =	vmul.f32 $8.000000000e+00, v5;
	v5 =	vld [tilespmem:s1+$0x12490];
	[tilespmem:s0+$0x1A5A0] =	vst v0;
	s0 =	smov.u32 s1  }
0x10a: {  	v0 =	vmul.f32 $8.000000000e+00, v6;
	v6 =	vld [tilespmem:s0+$0x124A0];
	[tilespmem:s0+$0x1A5B0] =	vst v7  }
0x10b: {  	[tilespmem:s0+$0x1A400] =	vst v1;
	v1 =	vmul.f32 $8.000000000e+00, v2;
	v2 =	vld [tilespmem:s0+$0x124B0]  }
0x10c: {  	[tilespmem:s0+$0x1A410] =	vst v0;
	v0 =	vmul.f32 $8.000000000e+00, v3;
	v3 =	vld [tilespmem:s0+$0x12500]  }
0x10d: {  	[tilespmem:s0+$0x1A420] =	vst v1;
	v1 =	vmul.f32 $8.000000000e+00, v4;
	v4 =	vld [tilespmem:s0+$0x12510]  }
.Ltmp8:
0x10e: {  	[tilespmem:s0+$0x1A430] =	vst v0;
	v5 =	vmul.f32 $8.000000000e+00, v5;
	v0 =	vld [tilespmem:s0+$0x12520];
	(pc) =	sbr.rel @p1 .LBB2_13-.Ltmp8, $4  }
0x10f: {  	[tilespmem:s0+$0x1A480] =	vst v1;
	v6 =	vmul.f32 $8.000000000e+00, v6;
	v1 =	vld [tilespmem:s0+$0x12530]  }
0x110: {  	[tilespmem:s0+$0x1A490] =	vst v5;
	v7 =	vmul.f32 $8.000000000e+00, v2;
	v2 =	vld [tilespmem:s0+$0x12580]  }
0x111: {  	[tilespmem:s0+$0x1A4A0] =	vst v6;
	v5 =	vmul.f32 $8.000000000e+00, v3;
	v3 =	vld [tilespmem:s0+$0x12590]  }
0x112: {  	s1 =	sshra.s32 s14, $0x2;
	s14 =	sadd.s32 $0x800, s14;
	[tilespmem:s0+$0x1A4B0] =	vst v7;
	v6 =	vmul.f32 $8.000000000e+00, v4;
	v4 =	vld [tilespmem:s0+$0x125A0]  }
0x113: {  	v7 =	vld [tilespmem:s1+$0x125B0];
	[tilespmem:s0+$0x1A500] =	vst v5;
	v0 =	vmul.f32 $8.000000000e+00, v0  }
0x114: {  	v5 =	vld [tilespmem:s1+$0x12400];
	[tilespmem:s0+$0x1A510] =	vst v6;
	v1 =	vmul.f32 $8.000000000e+00, v1  }
0x115: {  	v6 =	vld [tilespmem:s1+$0x12410];
	[tilespmem:s0+$0x1A520] =	vst v0;
	v2 =	vmul.f32 $8.000000000e+00, v2  }
0x116: {  	v0 =	vld [tilespmem:s1+$0x12420];
	[tilespmem:s0+$0x1A530] =	vst v1;
	v3 =	vmul.f32 $8.000000000e+00, v3  }
0x117: {  	v1 =	vld [tilespmem:s1+$0x12430];
	[tilespmem:s0+$0x1A580] =	vst v2;
	v4 =	vmul.f32 $8.000000000e+00, v4  }
0x118: {  	v2 =	vld [tilespmem:s1+$0x12480];
	[tilespmem:s0+$0x1A590] =	vst v3;
	v7 =	vmul.f32 $8.000000000e+00, v7  }
0x119: {  	v3 =	vld [tilespmem:s1+$0x12490];
	[tilespmem:s0+$0x1A5A0] =	vst v4;
	v50 =	vmul.f32 $8.000000000e+00, v5  }
0x11a: {  	v51 =	vld [tilespmem:s1+$0x124A0];
	[tilespmem:s1+$0x1A5B0] =	vst v7;
	v6 =	vmul.f32 $8.000000000e+00, v6  }
0x11b: {  	v52 =	vld [tilespmem:s1+$0x124B0];
	[tilespmem:s1+$0x1A400] =	vst v50;
	v0 =	vmul.f32 $8.000000000e+00, v0  }
0x11c: {  	v53 =	vld [tilespmem:s1+$0x12500];
	[tilespmem:s1+$0x1A410] =	vst v6;
	v1 =	vmul.f32 $8.000000000e+00, v1  }
0x11d: {  	v54 =	vld [tilespmem:s1+$0x12510];
	[tilespmem:s1+$0x1A420] =	vst v0;
	v2 =	vmul.f32 $8.000000000e+00, v2  }
0x11e: {  	v55 =	vld [tilespmem:s1+$0x12520];
	[tilespmem:s1+$0x1A430] =	vst v1;
	v3 =	vmul.f32 $8.000000000e+00, v3  }
0x11f: {  	v56 =	vld [tilespmem:s1+$0x12530];
	[tilespmem:s1+$0x1A480] =	vst v2;
	v5 =	vmul.f32 $8.000000000e+00, v51  }
0x120: {  	v57 =	vld [tilespmem:s1+$0x12580];
	v4 =	vmul.f32 $8.000000000e+00, v52;
	[tilespmem:s1+$0x1A490] =	vst v3  }
0x121: {  	v58 =	vld [tilespmem:s1+$0x12590];
	v6 =	vmul.f32 $8.000000000e+00, v53;
	[tilespmem:s1+$0x1A4A0] =	vst v5  }
0x122: {  	v59 =	vld [tilespmem:s1+$0x125A0];
	v0 =	vmul.f32 $8.000000000e+00, v54;
	[tilespmem:s1+$0x1A4B0] =	vst v4  }
0x123: {  	v1 =	vmul.f32 $8.000000000e+00, v55;
	[tilespmem:s1+$0x1A500] =	vst v6  }
0x124: {  	v60 =	vmul.f32 $8.000000000e+00, v56;
	[tilespmem:s1+$0x1A510] =	vst v0  }
0x125: {  	v61 =	vmul.f32 $8.000000000e+00, v57;
	[tilespmem:s1+$0x1A520] =	vst v1  }
.Ltmp9:
0x126: {  	v62 =	vmul.f32 $8.000000000e+00, v58;
	[tilespmem:s1+$0x1A530] =	vst v60;
	(pc) =	sbr.rel @p0 .LBB2_16-.Ltmp9, $4  }
0x127: {  	s31 =	sadd.s32 s31, s9;
	v63 =	vmul.f32 $8.000000000e+00, v59;
	[tilespmem:s1+$0x1A580] =	vst v61  }
0x128: {  	s0 =	sshll.u32 s31, $0x4;
	[tilespmem:s1+$0x1A590] =	vst v62  }
0x129: {  	s0 =	sadd.s32 s4, s0;
	[tilespmem:s1+$0x1A5A0] =	vst v63  }
0x12a: {  	[hbm4b:s0+s2] =	stream.linear.scatter [tilespmem:s23], [sflag:$0x6], $0x4000, $0x38;
	[tilespmem:$0x1E400] =	vst v63  }
.Ltmp10:
0x12b: {  	(pc) =	sbr.rel .LBB2_2-.Ltmp10, $4  }
0x12c: {  	_ = 	snop  }
0x12d: {  	s0 =	sshrl.u32 s30, $0x2  }
0x12e: {  	s29 =	sadd.s32 $0x1, s29;
	s0 =	sadd.s32 $0x380, s0  }
0x12f: {  	[tilespmem:s18], [sflag:$0x4] =	stream.indirect.gather [hbm4b:s3+s12], $0x80, s0, s12, $0xb8;
	[tilespmem:$0x1E400] =	vst v63  }
.LBB2_17:
0x130: {  	_ =	sfence.sel $0x180000  }
0x131: {  	[bflag:$0x0] =	sbarrier.arrive $0xFFFF  }
0x132: {  	_ =	strace $0x90000047  }
0x133: {  	s0 =	stileid.u32;
	[bflag:$0x2] =	sbarrier.arrive $0xFFFF  }
0x134: {  	p0 =	sne.s32 s0, $0x0;
	s0 =	rddreg [dreg:$0x2]  }
0x135: {  	s0 =	sadd.s32 @!p0 $0x100000, s0  }
0x136: {  	[sflag:s0] =	ssyncadd.tile.s32 @!p0 $0x1;
	_ =	shalt  }
.Lfunc_end2:
_tile_overlayer_lowered:
.L_overlay_start_2:
0x137: {  	(tag) =	ssettag $0x2  }
0x138: {  	s0 =	rddreg [dreg:$0x0];
	s2 =	stileid.u32  }
0x139: {  	s1 =	rddreg [dreg:$0x1];
	p0 =	sne.s32 s2, $0x0  }
0x13a: {  	s3 =	rddreg [dreg:$0x2];
	[bflag:$0x3] =	sbarrier.arrive $0xFFFF;
	s2 =	simm.s32 @!p0 $0x1C07  }
0x13b: {  	[timem:s3], [sflag:s2] =	dma.local @!p0 [hbm:s0], s1  }
0x13c: {  	s0 =	simm.s32 @!p0 $0x7  }
0x13d: {  	_ =	swait.ge @!p0 [sflag:s0], s1  }
0x13e: {  	s1 =	ssub.s32 @!p0 $0x0, s1;
	[sflag:s0] =	ssyncset.done @!p0 $0x0  }
0x13f: {  	[sflag:s0] =	ssyncadd.s32 @!p0 s1  }
0x140: {  	[bflag:$0x3] =	sbarrier.arrive $0xFFFF  }
0x141: {  	_ =	shalt  }

// kernel: sparse-core-data-format-call.cloned.1.call-start
scs
called_computation_lowered:
.L_overlay_start_0:
0x0: {  	s2 =	sld [smem:$0x3FD9]  }
0x1: {  	s3 =	sld [smem:$0x3FFE];
	_ =	sdelay $0x1  }
0x2: {  	s1 =	srdreg.scid  }
0x3: {  	s0 =	sand.u32 $0x1, s1  }
0x4: {  	s18 =	sshll.u32 s0, $0xA;
	s2 =	sadd.s32 s3, s2  }
0x5: {  	s2 =	sadd.s32 s2, s18  }
0x6: {  	[smem:$0x3FC6] =	sst s2  }
0x7: {  	_ = 	snop  }
0x8: {  	s2 =	sld [smem:$0x3FD0];
	(tm) =	ssettm $0x1  }
0x9: {  	s19 =	sld [smem:$0x3FFB];
	_ =	sdelay $0x3  }
0xa: {  	_ =	strace s19  }
0xb: {  	s3 =	sld [smem:$0x3FFC];
	_ =	sdelay $0x3  }
0xc: {  	_ =	strace s3  }
0xd: {  	s3 =	sld [smem:$0x3FFD];
	_ =	sdelay $0x3  }
0xe: {  	_ =	strace s3  }
0xf: {  	_ =	strace $0x8FFFFFFF  }
0x10: {  	s20 =	sld [smem:$0x3FDB];
	_ =	sdelay $0x1  }
0x11: {  	s4 =	simm.s32 $_scs_section_size  }
0x12: {  	s5 =	simm.s32 $_size__tile_overlayer_lowered;
	s6 =	simm.s32 $_tile_overlayer_lowered  }
0x13: {  	s23 =	simm.s32 $0x1BFF;
	s22 =	sshll.u32 s6, $0x1;
	s3 =	sadd.s32 s4, s20  }
0x14: {  	s7 =	simm.s32 $0x0;
	s21 =	sshll.u32 s5, $0x1;
	s5 =	sadd.s32 s22, s3  }
0x15: {  	[timem:s7], [sflag:s23] =	dma.local [hbm:s5], s21  }
0x16: {  	_ =	swait.ge [sflag:s23], s21  }
0x17: {  	s4 =	ssub.s32 $0x0, s21;
	[sflag:s23] =	ssyncset.done $0x0  }
0x18: {  	[sflag:s23] =	ssyncadd.s32 s4;
	_ =	sdelay $0x1  }
0x19: {  	s24 =	simm.s32 $0x1B8B  }
0x1a: {  	_ =	swait.ge [sflag:s24], $0x1  }
0x1b: {  	[sflag:s24] =	ssyncset.done $0x0  }
0x1c: {  	s26 =	simm.s32 $0x1B8E;
	s25 =	sld [smem:$0x3FFE];
	[sflag:s24] =	ssyncadd.s32 $0xFFFFFFFF  }
0x1d: {  	s27 =	simm.s32 $execute0_lowered;
	[smem:$0x3FD2] =	sst s26  }
0x1e: {  	s5 =	sshll.u32 s27, $0x1;
	_ =	strace $0x80000049;
	[dreg:$0x1] =	wrdreg $0xFFFFFFFF  }
0x1f: {  	s28 =	simm.s32 $_size_execute0_lowered;
	s3 =	sadd.s32 s3, s5;
	[dreg:$0x0] =	wrdreg $0x0  }
0x20: {  	s5 =	sshll.u32 s28, $0x1;
	[dreg:$0x2] =	wrdreg s3  }
0x21: {  	[dreg:$0x3] =	wrdreg s5  }
0x22: {  	[dreg:$0x4] =	wrdreg $0xC0  }
0x23: {  	_ =	task [dreg:s7], $0x5FFFF  }
0x24: {  	[dreg:$0x1] =	wrdreg $0xFFFFFFFF  }
0x25: {  	[dreg:$0x0] =	wrdreg $0x60  }
0x26: {  	[dreg:$0x2] =	wrdreg s25  }
0x27: {  	[dreg:$0x3] =	wrdreg s2  }
0x28: {  	[dreg:$0x4] =	wrdreg $0x9  }
0x29: {  	_ =	task.clear_ibuf [dreg:s7], $0x5FFFF;
	_ =	strace $0x90000049  }
0x2a: {  	s29 =	simm.s32 $0x9;
	_ =	strace $0x8000004B  }
0x2b: {  	_ =	swait.ge [sflag:s29], $0x1  }
0x2c: {  	[sflag:s29] =	ssyncadd.s32 $0xFFFFFFFF  }
0x2d: {  	_ =	strace $0x9000004B  }
0x2e: {  	_ =	sfence  }
0x2f: {  	s30 =	sld [smem:$0x0];
	_ =	sdelay $0x2  }
0x30: {  	s31 =	sshll.u32 s1, $0xD;
	s1 =	sshrl.u32 s1, $0x2  }
0x31: {  	s3 =	sand.u32 $0x4000, s31;
	s1 =	sadd.s32 s1, s30  }
0x32: {  	s0 =	sor.u32 s3, s0;
	s1 =	sshll.u32 s1, $0x11  }
0x33: {  	s0 =	sor.u32 s1, s0  }
0x34: {  	s0 =	sadd.s32 $0x8F2B, s0  }
0x35: {  	[sflag:s0] =	ssyncadd.remote.s32 $0x1  }
0x36: {  	_ =	sfence.sel $0xFFFF  }
0x37: {  	[dreg:$0x0] =	wrdreg $0xFFFFFFFF;
	(pc) =	sbr.abs _section_cstart, $3  }
0x38: {  	[dreg:$0x1] =	wrdreg $0xFFFFFFFF  }
0x39: {  	_ =	task.clear_ibuf [dreg:s7], $0x2FFFF;
	_ =	strace $0x9FFFFFFF  }
0x3a: {  	(tm) =	ssettm $0x7FFFFFFF  }
0x3b: {  	_ =	shalt  }
tec
execute0_lowered:
.L_overlay_start_1:
0x0: {  	(tag) =	ssettag $0x1  }
0x1: {  	s0 =	srdreg.scid  }
0x2: {  	s1 =	sshll.u32 s0, $0x4  }
0x3: {  	s0 =	stileid.u32;
	s1 =	sand.u32 $0x10, s1  }
0x4: {  	s1 =	sor.u32 s0, s1  }
0x5: {  	s6 =	rddreg [dreg:$0x0];
	s4 =	simm.s32 $0x1;
	s2 =	sshll.u32 s1, $0x7  }
0x6: {  	s7 =	simm.s32 $0x2;
	s12 =	simm.s32 $0x0;
	s1 =	ssub.s32 $0x1000, s2  }
0x7: {  	s8 =	simm.s32 $0x8000;
	s13 =	simm.s32 $0x0;
	s3 =	sand.u32 $0xF80, s1  }
0x8: {  	s9 =	simm.s32 $0x0;
	s5 =	sshrl.u32 s1, $0xC;
	p0 =	sne.s32 s3, $0x0  }
.Ltmp0:
0x9: {  	s1 =	rddreg [dreg:$0x2];
	s4 =	simm.s32 @!p0 $0x0;
	(pc) =	sbr.rel .LBB1_1-.Ltmp0, $4  }
0xa: {  	s11 =	simm.s32 $0x0;
	s3 =	rddreg [dreg:$0x1];
	s5 =	sadd.s32 s4, s5  }
0xb: {  	_ =	strace $0x8000004A;
	s4 =	simm.s32 $0x1;
	s5 =	smul.u32 $0xC8, s5  }
0xc: {  	s6 =	sadd.s32 $0xA00, s6;
	s10 =	smov.u32 s2;
	[sflag:s4] =	ssyncpa.u1 $0x0  }
0xd: {  	p0 =	por $0x0, $0x0;
	[sflag:s7] =	ssyncpa.u1 $0x0;
	s7 =	sor.u32 $0x1, s5  }
.LBB1_4:
0xe: {  	s16 =	sshll.u32 s13, $0x3;
	s17 =	sand.u32 $0x78, s13  }
0xf: {  	s30 =	sand.u32 $0x7E00, s13;
	s12 =	sshll.u32 s12, $0xF;
	s16 =	sand.u32 $0xC00, s16  }
0x10: {  	[tilespmem:s15+$0x810 ss:$0x81] =	vst.msk $0xffff, v2;
	s31 =	sand.u32 $0x7, s13;
	s16 =	sor.u32 s17, s16;
	s17 =	sadd.s32 s3, s30  }
0x11: {  	[tilespmem:s15+$0x1020 ss:$0x81] =	vst.msk $0xffff, v0;
	s13 =	sshll.u32 s31, $0x12;
	s12 =	sadd.s32 s12, s17;
	s16 =	sshrl.u32 s16, $0x3  }
0x12: {  	[tilespmem:s15+$0x0 ss:$0x81] =	vst.msk $0xffff, v1;
	s13 =	sor.u32 $0x400, s13;
	s12 =	sadd.s32 s16, s12  }
0x13: {  	[hbm4b:s12+s13] =	stream.strided.scatter [tilespmem:s14], [sflag:$0x2], $0x2000, s8, s13, $0x20;
	[tilespmem:$0x8080] =	vst v63  }
.LBB1_5:
0x14: {  	s14 =	sadd.s32 $0x1, s9  }
0x15: {  	s12 =	sadd.s32 $0x1000, s10;
	s16 =	smov.u32 s10;
	p2 =	sgt.s32 s14, $0xC7  }
0x16: {  	s16 =	smov.u32 @p2 s12  }
0x17: {  	s14 =	simm.s32 @p2 $0x0;
	p2 =	sgt.s32 s16, $0xFFF  }
0x18: {  	s16 =	smov.u32 @p2 s2;
	p2 =	sne.s32 s11, s7  }
.Ltmp1:
0x19: {  	p1 =	slt.u32 s11, $0x2;
	(pc) =	sbr.rel @!p2 .LBB1_6-.Ltmp1, $4  }
0x1a: {  	s15 =	simm.s32 @!p1 $0x2  }
0x1b: {  	s13 =	smov.u32 s10;
	p0 =	por !p0, !p0;
	_ =	swait.ge @!p1 [sflag:s15], $0x2000  }
0x1c: {  	s12 =	smov.u32 s9;
	[sflag:s15] =	ssyncset.done @!p1 $0x0;
	s9 =	smov.u32 s14  }
0x1d: {  	s11 =	sadd.s32 $0x1, s11;
	[sflag:s15] =	ssyncadd.s32 @!p1 $0xFFFFE000;
	s10 =	smov.u32 s16  }
.LBB1_1:
0x1e: {  	p1 =	sge.u32 s11, s5  }
0x1f: {  	s14 =	sand.u32 @!p1 $0x1FFFFFF, s9  }
0x20: {  	s15 =	smulhi.u32 @!p1 $0x147AE15, s14;
	_ =	sdelay $0x1  }
0x21: {  	s15 =	smul.u32 @!p1 $0xC8, s15  }
0x22: {  	s16 =	sxor.u32 @!p1 $0xFFFFFFFF, s11;
	s17 =	smul.u32 @!p1 $0xC80, s10  }
0x23: {  	s31 =	sadd.s32 $0xFFFFFFFF, s11;
	s16 =	sshll.u32 @!p1 s16, $0xD;
	s14 =	ssub.s32 @!p1 s14, s15  }
0x24: {  	s15 =	sand.u32 @!p1 $0x2000, s16;
	s16 =	sadd.s32 @!p1 s6, s17;
	s14 =	sshll.u32 @!p1 s14, $0x4  }
0x25: {  	s17 =	simm.s32 @!p1 $0x6400;
	s14 =	sadd.s32 @!p1 s14, s16;
	s16 =	simm.s32 @!p1 $0x40  }
0x26: {  	[tilespmem:s15], [sflag:$0x1] =	stream.strided.gather @!p1 [hbm4b:s14+s16], $0x2000, s17, s16, $0x38;
	[tilespmem:$0x8080] =	vst v63  }
0x27: {  	p1 =	sge.u32 s31, s5  }
.Ltmp2:
0x28: {  	_ = 	snop;
	(pc) =	sbr.rel @p1 .LBB1_5-.Ltmp2, $1  }
0x29: {  	_ =	sdelay $0x3  }
0x2a: {  	s14 =	simm.s32 $0x1  }
0x2b: {  	_ =	swait.ge [sflag:s4], $0x2000;
	s14 =	simm.s32 @!p0 $0x0  }
0x2c: {  	[sflag:s4] =	ssyncset.done $0x0;
	s15 =	sshll.u32 s14, $0xD  }
0x2d: {  	[sflag:s4] =	ssyncadd.s32 $0xFFFFE000;
	s18 =	sor.u32 $0x20, s15  }
0x2e: {  	s14 =	smul.u32 $0x8100, s14;
	v3 =	vld [tilespmem:s18+$0x10]  }
0x2f: {  	s30 =	sand.u32 $0x1, s11;
	v2 =	vld [tilespmem:s18+$0xFFFFFFF0]  }
0x30: {  	s15 =	smul.u32 $0x8100, s30;
	s14 =	sshrl.u32 s14, $0x2;
	v0 =	vld [tilespmem:s18+$0x0]  }
0x31: {  	v1 =	vld [tilespmem:s18+$0xFFFFFFE0];
	s16 =	sor.u32 $0x4000, s14  }
0x32: {  	s31 =	sshrl.u32 s15, $0x2;
	s15 =	sadd.s32 $0x0, s16  }
0x33: {  	s17 =	simm.s32 $0x4;
	s18 =	sadd.s32 $0x40, s18;
	s14 =	sor.u32 $0x4000, s31;
	[tilespmem:s15+$0x1830 ss:$0x81] =	vst.msk $0xffff, v3  }
.LBB1_3:
0x34: {  	v3 =	vld [tilespmem:s18+$0x10];
	p1 =	sne.s32 s17, $0x1FC;
	[tilespmem:s15+$0x810 ss:$0x81] =	vst.msk $0xffff, v2;
	s19 =	smov.u32 s17;
	s17 =	sadd.s32 $0x4, s17  }
.Ltmp3:
0x35: {  	v2 =	vld [tilespmem:s18+$0xFFFFFFF0];
	[tilespmem:s15+$0x1020 ss:$0x81] =	vst.msk $0xffff, v0;
	(pc) =	sbr.rel @p1 .LBB1_3-.Ltmp3, $4  }
0x36: {  	v0 =	vld [tilespmem:s18+$0x0];
	[tilespmem:s15+$0x0 ss:$0x81] =	vst.msk $0xffff, v1  }
0x37: {  	s15 =	sshra.s32 s19, $0x2;
	v1 =	vld [tilespmem:s18+$0xFFFFFFE0]  }
0x38: {  	s15 =	sadd.s32 s15, s16  }
0x39: {  	s18 =	sadd.s32 $0x40, s18;
	[tilespmem:s15+$0x1830 ss:$0x81] =	vst.msk $0xffff, v3  }
.Ltmp4:
0x3a: {  	_ = 	snop;
	(pc) =	sbr.rel .LBB1_4-.Ltmp4, $1  }
0x3b: {  	_ =	sdelay $0x3  }
.LBB1_6:
0x3c: {  	_ =	sfence.sel $0x180000  }
0x3d: {  	s2 =	simm.s32 $0x1;
	[bflag:$0x0] =	sbarrier.arrive $0xFFFF  }
0x3e: {  	s31 =	simm.s32 $0x2;
	[sflag:s2] =	ssyncpa.u1 $0x1  }
0x3f: {  	[sflag:s31] =	ssyncpa.u1 $0x1  }
0x40: {  	p0 =	sne.s32 s0, $0x0;
	_ =	strace $0x9000004A  }
0x41: {  	s0 =	sadd.s32 @!p0 $0x100000, s1;
	[bflag:$0x2] =	sbarrier.arrive $0xFFFF  }
0x42: {  	[sflag:s0] =	ssyncadd.tile.s32 @!p0 $0x1;
	_ =	shalt  }
.Lfunc_end1:
_tile_overlayer_lowered:
.L_overlay_start_2:
0x43: {  	(tag) =	ssettag $0x2  }
0x44: {  	s0 =	rddreg [dreg:$0x0];
	s2 =	stileid.u32  }
0x45: {  	s1 =	rddreg [dreg:$0x1];
	p0 =	sne.s32 s2, $0x0  }
0x46: {  	s3 =	rddreg [dreg:$0x2];
	[bflag:$0x3] =	sbarrier.arrive $0xFFFF;
	s2 =	simm.s32 @!p0 $0x1C01  }
0x47: {  	[timem:s3], [sflag:s2] =	dma.local @!p0 [hbm:s0], s1  }
0x48: {  	s0 =	simm.s32 @!p0 $0x1  }
0x49: {  	_ =	swait.ge @!p0 [sflag:s0], s1  }
0x4a: {  	s1 =	ssub.s32 @!p0 $0x0, s1;
	[sflag:s0] =	ssyncset.done @!p0 $0x0  }
0x4b: {  	[sflag:s0] =	ssyncadd.s32 @!p0 s1  }
0x4c: {  	[bflag:$0x3] =	sbarrier.arrive $0xFFFF  }
0x4d: {  	_ =	shalt  }

</sc_bundles>
